<compile_context>
chip_gen: v7x
topology: tpu7x:2x2x1
jax: 0.10.2.dev20260603
libtpu: 0.0.44.dev20260713+nightly
codegen_flags: <defaults>
</compile_context>

<pallas_src>
import functools

import jax
import jax.numpy as jnp
import numpy as np
from jax import lax
from jax.experimental import pallas as pl
from jax.experimental.pallas import tpu as pltpu
from jax.experimental.pallas import tpu_sc as plsc

_TEMP = 0.1
_B, _DB, _D = 1024, 1024, 64
_NW = 32
_ROWS_PER_W = _B // _NW
_LANES = 16
_CHUNKS = _DB // _LANES
_BLK_B = 256



def _threefry_core(ks, x0, x1):
    rotations = ((13, 15, 26, 6), (17, 29, 16, 24))
    ks0, ks1 = np.uint32(ks[0]), np.uint32(ks[1])
    ks2 = np.uint32(ks0 ^ ks1 ^ np.uint32(0x1BD11BDA))
    sched = ((ks1, ks2), (ks2, ks0), (ks0, ks1), (ks1, ks2), (ks2, ks0))
    x0 = (x0 + ks0).astype(np.uint32)
    x1 = (x1 + ks1).astype(np.uint32)
    for i in range(5):
        for r in rotations[i % 2]:
            x0 = (x0 + x1).astype(np.uint32)
            x1 = ((x1 << np.uint32(r)) | (x1 >> np.uint32(32 - r))).astype(np.uint32)
            x1 = x1 ^ x0
        a, b = sched[i]
        x0 = (x0 + a).astype(np.uint32)
        x1 = (x1 + b + np.uint32(i + 1)).astype(np.uint32)
    return x0, x1


def _rand_base_np():
    key = np.array([0, 42], np.uint32)
    a, b = _threefry_core(key, np.zeros(2, np.uint32), np.arange(2, dtype=np.uint32))
    k1 = np.array([a[0], b[0]], np.uint32)
    k2 = np.array([a[1], b[1]], np.uint32)
    size = _B * _DB
    ctr = np.arange(size, dtype=np.uint32)
    zeros = np.zeros(size, np.uint32)
    h0, h1 = _threefry_core(k1, zeros, ctr)
    l0, l1 = _threefry_core(k2, zeros, ctr)
    higher, lower = h0 ^ h1, l0 ^ l1
    span = np.uint32(1000000)
    mult = np.uint32(2**16) % span
    mult = np.uint32((np.uint64(mult) * np.uint64(mult)) % np.uint64(2**32)) % span
    off = ((higher % span) * mult + (lower % span)).astype(np.uint32) % span
    return off.astype(np.int32).reshape(_B, _DB)


_RAND_NP = _rand_base_np()


def _tc_prep_body(emb_ref, pos_ref, nk_ref, mask_ref, rand_ref,
                  packed_ref, gpair_ref, base_ref, m_ref, plog_ref):
    emb = emb_ref[...]
    posk = pos_ref[...]
    nk = nk_ref[...]
    q = emb * lax.rsqrt(jnp.sum(emb * emb, axis=1, keepdims=True) + 1e-12)
    p = posk * lax.rsqrt(jnp.sum(posk * posk, axis=1, keepdims=True) + 1e-12)
    n = nk * lax.rsqrt(jnp.sum(nk * nk, axis=1, keepdims=True) + 1e-12)
    plog = jnp.sum(q * p, axis=1, keepdims=True) / _TEMP
    s = lax.dot_general(q, n, (((1,), (1,)), ((), ())),
                        precision=lax.Precision.HIGHEST)
    logits = s / _TEMP

    maski = mask_ref[...]
    count = jnp.sum(maski, axis=1, keepdims=True)
    empty = count == 0
    maski = jnp.where(empty, 1, maski)
    count = jnp.where(empty, _DB, count)
    maskb = maski > 0
    maskf = maski.astype(jnp.float32)

    tri = (lax.broadcasted_iota(jnp.int32, (_DB, _DB), 0)
           < lax.broadcasted_iota(jnp.int32, (_DB, _DB), 1)).astype(jnp.float32)
    rank = lax.dot_general(maskf, tri, (((1,), (0,)), ((), ())))
    rank_i = rank.astype(jnp.int32)

    masked_l = jnp.where(maskb, logits, -jnp.inf)
    m = jnp.maximum(jnp.max(masked_l, axis=1, keepdims=True), plog)
    eexp = jnp.exp(logits - m)
    base_ref[...] = (jnp.sum(jnp.where(maskb, eexp, 0.0), axis=1, keepdims=True)
                     + jnp.exp(plog - m))
    m_ref[...] = m
    plog_ref[...] = plog

    randv = rand_ref[...]
    rcp = 1.0 / count.astype(jnp.float32)
    qf = jnp.floor(randv.astype(jnp.float32) * rcp)
    rem = randv - qf.astype(jnp.int32) * count
    rem = jnp.where(rem < 0, rem + count, rem)
    rem = jnp.where(rem >= count, rem - count, rem)
    col = lax.broadcasted_iota(jnp.int32, (_BLK_B, _DB), 1)
    scat = jnp.where(maskb, rank_i, _DB + (col & (_LANES - 1)))
    ebits = lax.bitcast_convert_type(eexp.astype(jnp.bfloat16),
                                     jnp.uint16).astype(jnp.int32)
    packed_ref[...] = scat | (ebits << 16)
    gath = jnp.where(col < count, _DB + _LANES, rem)
    gpair_ref[...] = gath.astype(jnp.int16)


_tc_prep = pl.pallas_call(
    _tc_prep_body,
    grid=(_B // _BLK_B,),
    in_specs=[
        pl.BlockSpec((_BLK_B, _D), lambda i: (i, 0)),
        pl.BlockSpec((_BLK_B, _D), lambda i: (i, 0)),
        pl.BlockSpec((_DB, _D), lambda i: (0, 0)),
        pl.BlockSpec((_BLK_B, _DB), lambda i: (i, 0)),
        pl.BlockSpec((_BLK_B, _DB), lambda i: (i, 0)),
    ],
    out_specs=[
        pl.BlockSpec((_BLK_B, _DB), lambda i: (i, 0)),
        pl.BlockSpec((_BLK_B, _DB), lambda i: (i, 0)),
        pl.BlockSpec((_BLK_B, 1), lambda i: (i, 0)),
        pl.BlockSpec((_BLK_B, 1), lambda i: (i, 0)),
        pl.BlockSpec((_BLK_B, 1), lambda i: (i, 0)),
    ],
    out_shape=[
        jax.ShapeDtypeStruct((_B, _DB), jnp.int32),
        jax.ShapeDtypeStruct((_B, _DB), jnp.int16),
        jax.ShapeDtypeStruct((_B, 1), jnp.float32),
        jax.ShapeDtypeStruct((_B, 1), jnp.float32),
        jax.ShapeDtypeStruct((_B, 1), jnp.float32),
    ],
)


_GRP = 16
_NGRP = _ROWS_PER_W // _GRP
_EVN = _DB + 2 * _LANES


_HI = np.int32(-65536)


def _scat_unit(pk_buf, rs, cidx, ev_s):
    word = pk_buf[rs, pl.ds(cidx * _LANES, _LANES)]
    val = plsc.bitcast(word & _HI, jnp.float32)
    plsc.store_scatter(ev_s, [word & 0xFFFF], val)


def _gath_unit(gp_buf, rg, cidx, ev_g, acc):
    raw = gp_buf[pl.ds(rg * _DB + cidx * 2 * _LANES, 2 * _LANES)]
    word = plsc.bitcast(raw, jnp.int32)
    acc = acc + plsc.load_gather(ev_g, [word & 0xFFFF])
    return acc + plsc.load_gather(ev_g, [lax.shift_right_logical(word, 16)])


def _sc_scatter_loop(pk_buf, rs, ev_s):
    def body(cidx, c2):
        _scat_unit(pk_buf, rs, cidx, ev_s)
        return c2

    lax.fori_loop(0, _CHUNKS, body, 0, unroll=4)


def _sc_gather_loop(gp_buf, rg, ev_g, acc_v, slot):
    def body(cidx, acc):
        return _gath_unit(gp_buf, rg, cidx, ev_g, acc)

    acc = lax.fori_loop(0, _CHUNKS // 2, body,
                        jnp.zeros((_LANES,), jnp.float32), unroll=4)
    acc_v[pl.ds(slot * _LANES, _LANES)] = acc


def _sc_fused_loop(pk_buf, gp_buf, rs, ev_s, rg, ev_g, acc_v, slot):
    def body(cidx, acc):
        _scat_unit(pk_buf, rs, 2 * cidx, ev_s)
        _scat_unit(pk_buf, rs, 2 * cidx + 1, ev_s)
        return _gath_unit(gp_buf, rg, cidx, ev_g, acc)

    acc = lax.fori_loop(0, _CHUNKS // 2, body,
                        jnp.zeros((_LANES,), jnp.float32), unroll=2)
    acc_v[pl.ds(slot * _LANES, _LANES)] = acc


def _sc_resample_body(packed_hbm, gpair_hbm, out_hbm,
                      pk_v0, gp_v0, pk_v1, gp_v1,
                      ev_a, ev_b, acc_v, sem0, sem1):
    wid = lax.axis_index("s") * 2 + lax.axis_index("c")
    row0 = wid * _ROWS_PER_W
    bufs = ((pk_v0, gp_v0, sem0), (pk_v1, gp_v1, sem1))

    ev_a[pl.ds(_DB + _LANES, _LANES)] = jnp.zeros((_LANES,), jnp.float32)
    ev_b[pl.ds(_DB + _LANES, _LANES)] = jnp.zeros((_LANES,), jnp.float32)

    def fire(g, bset):
        pv, gv, sem = bset
        r0 = row0 + g * _GRP
        return (pltpu.async_copy(packed_hbm.at[pl.ds(r0, _GRP)], pv, sem),
                pltpu.async_copy(gpair_hbm.at[pl.ds(r0 * _DB, _GRP * _DB)],
                                 gv, sem))

    inflight = fire(0, bufs[0])
    for g in range(_NGRP):
        for d in inflight:
            d.wait()
        pk_buf, gp_buf, _ = bufs[g % 2]
        if g + 1 < _NGRP:
            inflight = fire(g + 1, bufs[(g + 1) % 2])
        base = g * _GRP

        _sc_scatter_loop(pk_buf, 0, ev_a)

        def pair_body(t, carry, gp_buf=gp_buf, pk_buf=pk_buf, base=base):
            k = 2 * t + 1
            _sc_fused_loop(pk_buf, gp_buf, k, ev_b, k - 1, ev_a, acc_v, base + k - 1)
            _sc_fused_loop(pk_buf, gp_buf, k + 1, ev_a, k, ev_b, acc_v, base + k)
            return carry

        lax.fori_loop(0, _GRP // 2 - 1, pair_body, 0, unroll=False)
        _sc_fused_loop(pk_buf, gp_buf, _GRP - 1, ev_b, _GRP - 2, ev_a,
                       acc_v, base + _GRP - 2)
        _sc_gather_loop(gp_buf, _GRP - 1, ev_b, acc_v, base + _GRP - 1)

    pltpu.sync_copy(acc_v, out_hbm.at[pl.ds(row0 * _LANES, _ROWS_PER_W * _LANES)])


@functools.cache
def _sc_resample():
    return pl.kernel(
        _sc_resample_body,
        out_type=jax.ShapeDtypeStruct((_B * _LANES,), jnp.float32),
        mesh=plsc.VectorSubcoreMesh(core_axis_name="c", subcore_axis_name="s",
                                    num_cores=2, num_subcores=16),
        compiler_params=pltpu.CompilerParams(needs_layout_passes=False),
        scratch_types=[
            pltpu.VMEM((_GRP, _DB), jnp.int32),
            pltpu.VMEM((_GRP * _DB,), jnp.int16),
            pltpu.VMEM((_GRP, _DB), jnp.int32),
            pltpu.VMEM((_GRP * _DB,), jnp.int16),
            pltpu.VMEM((_EVN,), jnp.float32),
            pltpu.VMEM((_EVN,), jnp.float32),
            pltpu.VMEM((_ROWS_PER_W * _LANES,), jnp.float32),
            pltpu.SemaphoreType.DMA,
            pltpu.SemaphoreType.DMA,
        ],
    )


def _tc_final_body(base_ref, m_ref, plog_ref, zres_ref, out_ref):
    z = base_ref[...] + jnp.sum(zres_ref[...], axis=1, keepdims=True)
    loss = jnp.log(z) + m_ref[...] - plog_ref[...]
    out_ref[...] = jnp.mean(loss).reshape(1, 1)


_tc_final = pl.pallas_call(
    _tc_final_body,
    out_shape=jax.ShapeDtypeStruct((1, 1), jnp.float32),
)


def kernel(embeddings, positive_key, negative_keys, positives_mask, negatives_mask):
    del positives_mask
    maski = negatives_mask.astype(jnp.int32)
    rand = jnp.asarray(_RAND_NP)
    packed, gpair, base, m, plog = _tc_prep(
        embeddings, positive_key, negative_keys, maski, rand)
    zraw = _sc_resample()(packed, gpair.reshape(_B * _DB))
    zres = zraw.reshape(_B, _LANES)
    out = _tc_final(base, m, plog, zres)
    return out[0, 0]

# --- scband reference (transcript-rebuilt; emitter-appended) ---
"""Pipeline reference for scband-mbinfo-nceloss-38800734552520 (READ-ONLY COPY).

The authoritative reference and input builder live on the scoring server;
editing this copy changes nothing except your own understanding.
"""

import jax, jax.numpy as jnp
import numpy as np

TEMPERATURE = 0.1


def setup_inputs(seed: int = 0) -> dict:
    key = jax.random.key(seed)
    k1, k2, k3, k4, k5 = jax.random.split(key, 5)
    B, DB, D = 1024, 1024, 64
    embeddings = jax.random.normal(k1, (B, D), dtype=jnp.float32)
    positive_key = jax.random.normal(k2, (B, D), dtype=jnp.float32)
    negative_keys = jax.random.normal(k3, (DB, D), dtype=jnp.float32)
    positives_mask = jax.random.randint(k4, (B, B), 0, 2).astype(bool)
    negatives_mask = jax.random.randint(k5, (B, DB), 0, 2).astype(bool)
    return {
        'embeddings': embeddings,
        'positive_key': positive_key,
        'negative_keys': negative_keys,
        'positives_mask': positives_mask,
        'negatives_mask': negatives_mask,
    }


def _normalize(x):
    return x / jnp.sqrt(jnp.sum(x * x, axis=-1, keepdims=True) + 1e-12)


def reference(embeddings, positive_key, negative_keys, positives_mask, negatives_mask):
    B, DB = negatives_mask.shape
    # --- memory-bank negative sampling (mirrors the torch forward) ---
    negative_inuse = negatives_mask.astype(jnp.int32)
    negative_count = jnp.count_nonzero(negative_inuse, axis=-1).astype(jnp.int32)
    negative_zero_mask = negative_count <= 0
    negative_count = jnp.where(negative_zero_mask, DB, negative_count)
    rkey = jax.random.key(42)
    rand_base = jax.random.randint(rkey, (B, DB), 0, 1000000)
    rand_base_1 = jnp.mod(rand_base, negative_count[:, None]).astype(jnp.int32)
    rand_base_2 = jnp.broadcast_to(jnp.arange(DB, dtype=jnp.int32)[None, :], (B, DB))
    rand_base_2 = jnp.where(rand_base_2 < negative_count[:, None], rand_base_2, rand_base_1)
    # descending sort of 0/1 mask -> indices of in-use negatives first
    indices = jnp.argsort(-negative_inuse, axis=-1).astype(jnp.int32)
    rand_indices = jnp.take_along_axis(indices, rand_base_2, axis=1)  # [B, DB]
    negatives_keys = negative_keys[rand_indices, :]  # [B, DB, D] gather from memory bank
    # --- standard InfoNCE (cosine similarity), negative_mode='paired' ---
    q = _normalize(embeddings)
    p = _normalize(positive_key)
    n = _normalize(negatives_keys)
    positive_logit = jnp.sum(q * p, axis=1, keepdims=True)  # [B, 1]
    negative_logits = jnp.einsum('bd,bkd->bk', q, n)  # [B, DB]
    logits = jnp.concatenate([positive_logit, negative_logits], axis=1) / TEMPERATURE
    # labels are all zeros -> cross entropy against column 0
    logp = jax.nn.log_softmax(logits, axis=-1)
    loss = -logp[:, 0]
    return jnp.mean(loss)

if __name__ == "__main__":
    import jax
    _d = setup_inputs()
    print(jax.jit(kernel)(*tuple(_d.values())))

</pallas_src>

<mosaic_0001>
#map = affine_map<(d0, d1) -> (0, 0)>
#map1 = affine_map<(d0, d1) -> (0)>
module attributes {stable_mosaic.version = 14 : i64} {
  func.func @_sc_resample_body(%arg0: i32, %arg1: i32, %arg2: memref<1024x1024xi32, #tpu.memory_space<hbm>>, %arg3: memref<1048576xi16, #tpu.memory_space<hbm>>, %arg4: memref<16384xf32, #tpu.memory_space<hbm>>, %arg5: memref<16x1024xi32, #tpu.memory_space<vmem>>, %arg6: memref<16384xi16, #tpu.memory_space<vmem>>, %arg7: memref<16x1024xi32, #tpu.memory_space<vmem>>, %arg8: memref<16384xi16, #tpu.memory_space<vmem>>, %arg9: memref<1056xf32, #tpu.memory_space<vmem>>, %arg10: memref<1056xf32, #tpu.memory_space<vmem>>, %arg11: memref<512xf32, #tpu.memory_space<vmem>>, %arg12: memref<!tpu.dma_semaphore, #tpu.memory_space<semaphore_mem>>, %arg13: memref<!tpu.dma_semaphore, #tpu.memory_space<semaphore_mem>>) attributes {dimension_semantics = [#tpu.dimension_semantics<core_parallel>, #tpu.dimension_semantics<subcore_parallel>], iteration_bounds = array<i64: 2, 16>, scalar_prefetch = 0 : i64, scratch_operands = 9 : i64, tpu.core_type = #tpu.core_type<sc_vector_subcore>, window_params = [{transform_indices = #map}, {transform_indices = #map1}, {transform_indices = #map1}]} {
    %mul3A = arith.constant 2 : i32
    %mul3A_0 = arith.muli %arg1, %mul3A : i32
    %add3A = arith.addi %mul3A_0, %arg0 : i32
    %mul3A_1 = arith.constant 32 : i32
    %mul3A_2 = arith.muli %add3A, %mul3A_1 : i32
    %broadcast_in_dim3A = arith.constant 0.000000e+00 : f32
    %broadcast_in_dim3A_3 = vector.broadcast %broadcast_in_dim3A : f32 to vector<16xf32>
    %swap3A = arith.constant 1040 : index
    %swap3A_4 = tpu.vector_load %arg9[%swap3A] {strides = array<i32>} : memref<1056xf32, #tpu.memory_space<vmem>>, vector<16xf32>,
    tpu.vector_store %arg9[%swap3A], %broadcast_in_dim3A_3 {strides = array<i32>} : memref<1056xf32, #tpu.memory_space<vmem>>, vector<16xf32>,
    %broadcast_in_dim3A_5 = arith.constant 0.000000e+00 : f32
    %broadcast_in_dim3A_6 = vector.broadcast %broadcast_in_dim3A_5 : f32 to vector<16xf32>
    %swap3A_7 = arith.constant 1040 : index
    %swap3A_8 = tpu.vector_load %arg10[%swap3A_7] {strides = array<i32>} : memref<1056xf32, #tpu.memory_space<vmem>>, vector<16xf32>,
    tpu.vector_store %arg10[%swap3A_7], %broadcast_in_dim3A_6 {strides = array<i32>} : memref<1056xf32, #tpu.memory_space<vmem>>, vector<16xf32>,
    %add3A_9 = arith.constant 0 : i32
    %add3A_10 = arith.addi %mul3A_2, %add3A_9 : i32
    %dma_start3A = arith.constant 0 : i32
    %dma_start3A_11 = tpu.memref_slice %arg2[%add3A_10, %dma_start3A] : memref<1024x1024xi32, #tpu.memory_space<hbm>> -> memref<16x1024xi32, #tpu.memory_space<hbm>>
    %dma_start3A_12 = arith.constant 0 : i32
    %dma_start3A_13 = tpu.memref_slice %arg2[%add3A_10, %dma_start3A_12] : memref<1024x1024xi32, #tpu.memory_space<hbm>> -> memref<16x1024xi32, #tpu.memory_space<hbm>>
    tpu.enqueue_dma source(%dma_start3A_13 : memref<16x1024xi32, #tpu.memory_space<hbm>>) target(%arg5 : memref<16x1024xi32, #tpu.memory_space<vmem>>) target_semaphore(%arg12 : memref<!tpu.dma_semaphore, #tpu.memory_space<semaphore_mem>>)
    %mul3A_14 = arith.constant 1024 : i32
    %mul3A_15 = arith.muli %add3A_10, %mul3A_14 : i32
    %dma_start3A_16 = tpu.memref_slice %arg3[%mul3A_15] : memref<1048576xi16, #tpu.memory_space<hbm>> -> memref<16384xi16, #tpu.memory_space<hbm>>
    %dma_start3A_17 = tpu.memref_slice %arg3[%mul3A_15] : memref<1048576xi16, #tpu.memory_space<hbm>> -> memref<16384xi16, #tpu.memory_space<hbm>>
    tpu.enqueue_dma source(%dma_start3A_17 : memref<16384xi16, #tpu.memory_space<hbm>>) target(%arg6 : memref<16384xi16, #tpu.memory_space<vmem>>) target_semaphore(%arg12 : memref<!tpu.dma_semaphore, #tpu.memory_space<semaphore_mem>>)
    %dma_wait3A = arith.constant 0 : i32
    %dma_wait3A_18 = tpu.memref_slice %arg2[%add3A_10, %dma_wait3A] : memref<1024x1024xi32, #tpu.memory_space<hbm>> -> memref<16x1024xi32, #tpu.memory_space<hbm>>
    %dma_wait3A_19 = arith.constant 0 : i32
    %dma_wait3A_20 = tpu.memref_slice %arg2[%add3A_10, %dma_wait3A_19] : memref<1024x1024xi32, #tpu.memory_space<hbm>> -> memref<16x1024xi32, #tpu.memory_space<hbm>>
    tpu.wait_dma2 semaphore(%arg12 : memref<!tpu.dma_semaphore, #tpu.memory_space<semaphore_mem>>) src(%dma_wait3A_20 : memref<16x1024xi32, #tpu.memory_space<hbm>>) dst(%arg5 : memref<16x1024xi32, #tpu.memory_space<vmem>>)
    %dma_wait3A_21 = tpu.memref_slice %arg3[%mul3A_15] : memref<1048576xi16, #tpu.memory_space<hbm>> -> memref<16384xi16, #tpu.memory_space<hbm>>
    %dma_wait3A_22 = tpu.memref_slice %arg3[%mul3A_15] : memref<1048576xi16, #tpu.memory_space<hbm>> -> memref<16384xi16, #tpu.memory_space<hbm>>
    tpu.wait_dma2 semaphore(%arg12 : memref<!tpu.dma_semaphore, #tpu.memory_space<semaphore_mem>>) src(%dma_wait3A_22 : memref<16384xi16, #tpu.memory_space<hbm>>) dst(%arg6 : memref<16384xi16, #tpu.memory_space<vmem>>)
    %add3A_23 = arith.constant 16 : i32
    %add3A_24 = arith.addi %mul3A_2, %add3A_23 : i32
    %dma_start3A_25 = arith.constant 0 : i32
    %dma_start3A_26 = tpu.memref_slice %arg2[%add3A_24, %dma_start3A_25] : memref<1024x1024xi32, #tpu.memory_space<hbm>> -> memref<16x1024xi32, #tpu.memory_space<hbm>>
    %dma_start3A_27 = arith.constant 0 : i32
    %dma_start3A_28 = tpu.memref_slice %arg2[%add3A_24, %dma_start3A_27] : memref<1024x1024xi32, #tpu.memory_space<hbm>> -> memref<16x1024xi32, #tpu.memory_space<hbm>>
    tpu.enqueue_dma source(%dma_start3A_28 : memref<16x1024xi32, #tpu.memory_space<hbm>>) target(%arg7 : memref<16x1024xi32, #tpu.memory_space<vmem>>) target_semaphore(%arg13 : memref<!tpu.dma_semaphore, #tpu.memory_space<semaphore_mem>>)
    %mul3A_29 = arith.constant 1024 : i32
    %mul3A_30 = arith.muli %add3A_24, %mul3A_29 : i32
    %dma_start3A_31 = tpu.memref_slice %arg3[%mul3A_30] : memref<1048576xi16, #tpu.memory_space<hbm>> -> memref<16384xi16, #tpu.memory_space<hbm>>
    %dma_start3A_32 = tpu.memref_slice %arg3[%mul3A_30] : memref<1048576xi16, #tpu.memory_space<hbm>> -> memref<16384xi16, #tpu.memory_space<hbm>>
    tpu.enqueue_dma source(%dma_start3A_32 : memref<16384xi16, #tpu.memory_space<hbm>>) target(%arg8 : memref<16384xi16, #tpu.memory_space<vmem>>) target_semaphore(%arg13 : memref<!tpu.dma_semaphore, #tpu.memory_space<semaphore_mem>>)
    %scan3A = arith.constant 0 : i32
    %scan3A_33 = arith.constant 0 : i32
    %scan3A_34 = arith.constant 64 : i32
    %scan3A_35 = arith.addi %scan3A_33, %scan3A_34 : i32
    %scan3A_36 = arith.constant 4 : i32
    scf.for %scan3A_104 = %scan3A_33 to %scan3A_35 step %scan3A_36  : i32 {
      %mul3A_105 = arith.constant 16 : i32
      %mul3A_106 = arith.muli %scan3A_104, %mul3A_105 : i32
      %get3A = arith.constant 0 : i32
      %get3A_107 = arith.index_cast %get3A : i32 to index
      %get3A_108 = arith.index_cast %mul3A_106 : i32 to index
      %get3A_109 = tpu.vector_load %arg5[%get3A_107, %get3A_108] {strides = array<i32>} : memref<16x1024xi32, #tpu.memory_space<vmem>>, vector<16xi32>,
      %and3A = arith.constant -65536 : i32
      %and3A_110 = vector.broadcast %and3A : i32 to vector<16xi32>
      %and3A_111 = arith.andi %get3A_109, %and3A_110 : vector<16xi32>
      %bitcast3A = vector.bitcast %and3A_111 : vector<16xi32> to vector<16xf32>
      %and3A_112 = arith.constant 65535 : i32
      %and3A_113 = vector.broadcast %and3A_112 : i32 to vector<16xi32>
      %and3A_114 = arith.andi %get3A_109, %and3A_113 : vector<16xi32>
      tpu.vector_store_idx %arg9[%and3A_114], %bitcast3A : memref<1056xf32, #tpu.memory_space<vmem>>[vector<16xi32>], vector<16xf32>,
      %scan3A_115 = arith.constant 1 : i32
      %scan3A_116 = arith.addi %scan3A_104, %scan3A_115 : i32
      %mul3A_117 = arith.constant 16 : i32
      %mul3A_118 = arith.muli %scan3A_116, %mul3A_117 : i32
      %get3A_119 = arith.constant 0 : i32
      %get3A_120 = arith.index_cast %get3A_119 : i32 to index
      %get3A_121 = arith.index_cast %mul3A_118 : i32 to index
      %get3A_122 = tpu.vector_load %arg5[%get3A_120, %get3A_121] {strides = array<i32>} : memref<16x1024xi32, #tpu.memory_space<vmem>>, vector<16xi32>,
      %and3A_123 = arith.constant -65536 : i32
      %and3A_124 = vector.broadcast %and3A_123 : i32 to vector<16xi32>
      %and3A_125 = arith.andi %get3A_122, %and3A_124 : vector<16xi32>
      %bitcast3A_126 = vector.bitcast %and3A_125 : vector<16xi32> to vector<16xf32>
      %and3A_127 = arith.constant 65535 : i32
      %and3A_128 = vector.broadcast %and3A_127 : i32 to vector<16xi32>
      %and3A_129 = arith.andi %get3A_122, %and3A_128 : vector<16xi32>
      tpu.vector_store_idx %arg9[%and3A_129], %bitcast3A_126 : memref<1056xf32, #tpu.memory_space<vmem>>[vector<16xi32>], vector<16xf32>,
      %scan3A_130 = arith.constant 2 : i32
      %scan3A_131 = arith.addi %scan3A_104, %scan3A_130 : i32
      %mul3A_132 = arith.constant 16 : i32
      %mul3A_133 = arith.muli %scan3A_131, %mul3A_132 : i32
      %get3A_134 = arith.constant 0 : i32
      %get3A_135 = arith.index_cast %get3A_134 : i32 to index
      %get3A_136 = arith.index_cast %mul3A_133 : i32 to index
      %get3A_137 = tpu.vector_load %arg5[%get3A_135, %get3A_136] {strides = array<i32>} : memref<16x1024xi32, #tpu.memory_space<vmem>>, vector<16xi32>,
      %and3A_138 = arith.constant -65536 : i32
      %and3A_139 = vector.broadcast %and3A_138 : i32 to vector<16xi32>
      %and3A_140 = arith.andi %get3A_137, %and3A_139 : vector<16xi32>
      %bitcast3A_141 = vector.bitcast %and3A_140 : vector<16xi32> to vector<16xf32>
      %and3A_142 = arith.constant 65535 : i32
      %and3A_143 = vector.broadcast %and3A_142 : i32 to vector<16xi32>
      %and3A_144 = arith.andi %get3A_137, %and3A_143 : vector<16xi32>
      tpu.vector_store_idx %arg9[%and3A_144], %bitcast3A_141 : memref<1056xf32, #tpu.memory_space<vmem>>[vector<16xi32>], vector<16xf32>,
      %scan3A_145 = arith.constant 3 : i32
      %scan3A_146 = arith.addi %scan3A_104, %scan3A_145 : i32
      %mul3A_147 = arith.constant 16 : i32
      %mul3A_148 = arith.muli %scan3A_146, %mul3A_147 : i32
      %get3A_149 = arith.constant 0 : i32
      %get3A_150 = arith.index_cast %get3A_149 : i32 to index
      %get3A_151 = arith.index_cast %mul3A_148 : i32 to index
      %get3A_152 = tpu.vector_load %arg5[%get3A_150, %get3A_151] {strides = array<i32>} : memref<16x1024xi32, #tpu.memory_space<vmem>>, vector<16xi32>,
      %and3A_153 = arith.constant -65536 : i32
      %and3A_154 = vector.broadcast %and3A_153 : i32 to vector<16xi32>
      %and3A_155 = arith.andi %get3A_152, %and3A_154 : vector<16xi32>
      %bitcast3A_156 = vector.bitcast %and3A_155 : vector<16xi32> to vector<16xf32>
      %and3A_157 = arith.constant 65535 : i32
      %and3A_158 = vector.broadcast %and3A_157 : i32 to vector<16xi32>
      %and3A_159 = arith.andi %get3A_152, %and3A_158 : vector<16xi32>
      tpu.vector_store_idx %arg9[%and3A_159], %bitcast3A_156 : memref<1056xf32, #tpu.memory_space<vmem>>[vector<16xi32>], vector<16xf32>,
    }
    %scan3A_37 = arith.constant 64 : i32
    %scan3A_38 = arith.constant 0 : i32
    %scan3A_39 = arith.constant 0 : i32
    %scan3A_40 = arith.constant 7 : i32
    %scan3A_41 = arith.addi %scan3A_39, %scan3A_40 : i32
    %scan3A_42 = arith.constant 1 : i32
    scf.for %scan3A_104 = %scan3A_39 to %scan3A_41 step %scan3A_42  : i32 {
      %mul3A_105 = arith.constant 2 : i32
      %mul3A_106 = arith.muli %mul3A_105, %scan3A_104 : i32
      %add3A_107 = arith.constant 1 : i32
      %add3A_108 = arith.addi %mul3A_106, %add3A_107 : i32
      %sub3A = arith.constant 1 : i32
      %sub3A_109 = arith.subi %add3A_108, %sub3A : i32
      %add3A_110 = arith.constant 0 : i32
      %add3A_111 = arith.addi %add3A_110, %add3A_108 : i32
      %sub3A_112 = arith.constant 1 : i32
      %sub3A_113 = arith.subi %add3A_111, %sub3A_112 : i32
      %broadcast_in_dim3A_114 = arith.constant 0.000000e+00 : f32
      %broadcast_in_dim3A_115 = vector.broadcast %broadcast_in_dim3A_114 : f32 to vector<16xf32>
      %scan3A_116 = arith.constant 0 : i32
      %scan3A_117 = arith.constant 32 : i32
      %scan3A_118 = arith.addi %scan3A_116, %scan3A_117 : i32
      %scan3A_119 = arith.constant 2 : i32
      %scan3A_120 = scf.for %scan3A_142 = %scan3A_116 to %scan3A_118 step %scan3A_119 iter_args(%scan3A_143 = %broadcast_in_dim3A_115) -> (vector<16xf32>)  : i32 {
        %mul3A_144 = arith.constant 2 : i32
        %mul3A_145 = arith.muli %mul3A_144, %scan3A_142 : i32
        %mul3A_146 = arith.constant 16 : i32
        %mul3A_147 = arith.muli %mul3A_145, %mul3A_146 : i32
        %get3A = arith.index_cast %add3A_108 : i32 to index
        %get3A_148 = arith.index_cast %mul3A_147 : i32 to index
        %get3A_149 = tpu.vector_load %arg5[%get3A, %get3A_148] {strides = array<i32>} : memref<16x1024xi32, #tpu.memory_space<vmem>>, vector<16xi32>,
        %and3A = arith.constant -65536 : i32
        %and3A_150 = vector.broadcast %and3A : i32 to vector<16xi32>
        %and3A_151 = arith.andi %get3A_149, %and3A_150 : vector<16xi32>
        %bitcast3A = vector.bitcast %and3A_151 : vector<16xi32> to vector<16xf32>
        %and3A_152 = arith.constant 65535 : i32
        %and3A_153 = vector.broadcast %and3A_152 : i32 to vector<16xi32>
        %and3A_154 = arith.andi %get3A_149, %and3A_153 : vector<16xi32>
        tpu.vector_store_idx %arg10[%and3A_154], %bitcast3A : memref<1056xf32, #tpu.memory_space<vmem>>[vector<16xi32>], vector<16xf32>,
        %mul3A_155 = arith.constant 2 : i32
        %mul3A_156 = arith.muli %mul3A_155, %scan3A_142 : i32
        %add3A_157 = arith.constant 1 : i32
        %add3A_158 = arith.addi %mul3A_156, %add3A_157 : i32
        %mul3A_159 = arith.constant 16 : i32
        %mul3A_160 = arith.muli %add3A_158, %mul3A_159 : i32
        %get3A_161 = arith.index_cast %add3A_108 : i32 to index
        %get3A_162 = arith.index_cast %mul3A_160 : i32 to index
        %get3A_163 = tpu.vector_load %arg5[%get3A_161, %get3A_162] {strides = array<i32>} : memref<16x1024xi32, #tpu.memory_space<vmem>>, vector<16xi32>,
        %and3A_164 = arith.constant -65536 : i32
        %and3A_165 = vector.broadcast %and3A_164 : i32 to vector<16xi32>
        %and3A_166 = arith.andi %get3A_163, %and3A_165 : vector<16xi32>
        %bitcast3A_167 = vector.bitcast %and3A_166 : vector<16xi32> to vector<16xf32>
        %and3A_168 = arith.constant 65535 : i32
        %and3A_169 = vector.broadcast %and3A_168 : i32 to vector<16xi32>
        %and3A_170 = arith.andi %get3A_163, %and3A_169 : vector<16xi32>
        tpu.vector_store_idx %arg10[%and3A_170], %bitcast3A_167 : memref<1056xf32, #tpu.memory_space<vmem>>[vector<16xi32>], vector<16xf32>,
        %mul3A_171 = arith.constant 1024 : i32
        %mul3A_172 = arith.muli %sub3A_109, %mul3A_171 : i32
        %mul3A_173 = arith.constant 2 : i32
        %mul3A_174 = arith.muli %scan3A_142, %mul3A_173 : i32
        %mul3A_175 = arith.constant 16 : i32
        %mul3A_176 = arith.muli %mul3A_174, %mul3A_175 : i32
        %add3A_177 = arith.addi %mul3A_172, %mul3A_176 : i32
        %get3A_178 = arith.index_cast %add3A_177 : i32 to index
        %get3A_179 = tpu.vector_load %arg6[%get3A_178] {strides = array<i32>} : memref<16384xi16, #tpu.memory_space<vmem>>, vector<32xi16>,
        %bitcast3A_180 = vector.bitcast %get3A_179 : vector<32xi16> to vector<16xi32>
        %and3A_181 = arith.constant 65535 : i32
        %and3A_182 = vector.broadcast %and3A_181 : i32 to vector<16xi32>
        %and3A_183 = arith.andi %bitcast3A_180, %and3A_182 : vector<16xi32>
        %gather3A = tpu.vector_load_idx %arg9[%and3A_183] : memref<1056xf32, #tpu.memory_space<vmem>>[vector<16xi32>], vector<16xf32>,
        %add3A_184 = arith.addf %scan3A_143, %gather3A : vector<16xf32>
        %shift_right_logical3A = arith.constant 16 : i32
        %shift_right_logical3A_185 = vector.broadcast %shift_right_logical3A : i32 to vector<16xi32>
        %shift_right_logical3A_186 = arith.shrui %bitcast3A_180, %shift_right_logical3A_185 : vector<16xi32>
        %gather3A_187 = tpu.vector_load_idx %arg9[%shift_right_logical3A_186] : memref<1056xf32, #tpu.memory_space<vmem>>[vector<16xi32>], vector<16xf32>,
        %add3A_188 = arith.addf %add3A_184, %gather3A_187 : vector<16xf32>
        %scan3A_189 = arith.constant 1 : i32
        %scan3A_190 = arith.addi %scan3A_142, %scan3A_189 : i32
        %mul3A_191 = arith.constant 2 : i32
        %mul3A_192 = arith.muli %mul3A_191, %scan3A_190 : i32
        %mul3A_193 = arith.constant 16 : i32
        %mul3A_194 = arith.muli %mul3A_192, %mul3A_193 : i32
        %get3A_195 = arith.index_cast %add3A_108 : i32 to index
        %get3A_196 = arith.index_cast %mul3A_194 : i32 to index
        %get3A_197 = tpu.vector_load %arg5[%get3A_195, %get3A_196] {strides = array<i32>} : memref<16x1024xi32, #tpu.memory_space<vmem>>, vector<16xi32>,
        %and3A_198 = arith.constant -65536 : i32
        %and3A_199 = vector.broadcast %and3A_198 : i32 to vector<16xi32>
        %and3A_200 = arith.andi %get3A_197, %and3A_199 : vector<16xi32>
        %bitcast3A_201 = vector.bitcast %and3A_200 : vector<16xi32> to vector<16xf32>
        %and3A_202 = arith.constant 65535 : i32
        %and3A_203 = vector.broadcast %and3A_202 : i32 to vector<16xi32>
        %and3A_204 = arith.andi %get3A_197, %and3A_203 : vector<16xi32>
        tpu.vector_store_idx %arg10[%and3A_204], %bitcast3A_201 : memref<1056xf32, #tpu.memory_space<vmem>>[vector<16xi32>], vector<16xf32>,
        %mul3A_205 = arith.constant 2 : i32
        %mul3A_206 = arith.muli %mul3A_205, %scan3A_190 : i32
        %add3A_207 = arith.constant 1 : i32
        %add3A_208 = arith.addi %mul3A_206, %add3A_207 : i32
        %mul3A_209 = arith.constant 16 : i32
        %mul3A_210 = arith.muli %add3A_208, %mul3A_209 : i32
        %get3A_211 = arith.index_cast %add3A_108 : i32 to index
        %get3A_212 = arith.index_cast %mul3A_210 : i32 to index
        %get3A_213 = tpu.vector_load %arg5[%get3A_211, %get3A_212] {strides = array<i32>} : memref<16x1024xi32, #tpu.memory_space<vmem>>, vector<16xi32>,
        %and3A_214 = arith.constant -65536 : i32
        %and3A_215 = vector.broadcast %and3A_214 : i32 to vector<16xi32>
        %and3A_216 = arith.andi %get3A_213, %and3A_215 : vector<16xi32>
        %bitcast3A_217 = vector.bitcast %and3A_216 : vector<16xi32> to vector<16xf32>
        %and3A_218 = arith.constant 65535 : i32
        %and3A_219 = vector.broadcast %and3A_218 : i32 to vector<16xi32>
        %and3A_220 = arith.andi %get3A_213, %and3A_219 : vector<16xi32>
        tpu.vector_store_idx %arg10[%and3A_220], %bitcast3A_217 : memref<1056xf32, #tpu.memory_space<vmem>>[vector<16xi32>], vector<16xf32>,
        %mul3A_221 = arith.constant 1024 : i32
        %mul3A_222 = arith.muli %sub3A_109, %mul3A_221 : i32
        %mul3A_223 = arith.constant 2 : i32
        %mul3A_224 = arith.muli %scan3A_190, %mul3A_223 : i32
        %mul3A_225 = arith.constant 16 : i32
        %mul3A_226 = arith.muli %mul3A_224, %mul3A_225 : i32
        %add3A_227 = arith.addi %mul3A_222, %mul3A_226 : i32
        %get3A_228 = arith.index_cast %add3A_227 : i32 to index
        %get3A_229 = tpu.vector_load %arg6[%get3A_228] {strides = array<i32>} : memref<16384xi16, #tpu.memory_space<vmem>>, vector<32xi16>,
        %bitcast3A_230 = vector.bitcast %get3A_229 : vector<32xi16> to vector<16xi32>
        %and3A_231 = arith.constant 65535 : i32
        %and3A_232 = vector.broadcast %and3A_231 : i32 to vector<16xi32>
        %and3A_233 = arith.andi %bitcast3A_230, %and3A_232 : vector<16xi32>
        %gather3A_234 = tpu.vector_load_idx %arg9[%and3A_233] : memref<1056xf32, #tpu.memory_space<vmem>>[vector<16xi32>], vector<16xf32>,
        %add3A_235 = arith.addf %add3A_188, %gather3A_234 : vector<16xf32>
        %shift_right_logical3A_236 = arith.constant 16 : i32
        %shift_right_logical3A_237 = vector.broadcast %shift_right_logical3A_236 : i32 to vector<16xi32>
        %shift_right_logical3A_238 = arith.shrui %bitcast3A_230, %shift_right_logical3A_237 : vector<16xi32>
        %gather3A_239 = tpu.vector_load_idx %arg9[%shift_right_logical3A_238] : memref<1056xf32, #tpu.memory_space<vmem>>[vector<16xi32>], vector<16xf32>,
        %add3A_240 = arith.addf %add3A_235, %gather3A_239 : vector<16xf32>
        scf.yield %add3A_240 : vector<16xf32>
      }
      %scan3A_121 = arith.constant 32 : i32
      %mul3A_122 = arith.constant 16 : i32
      %mul3A_123 = arith.muli %sub3A_113, %mul3A_122 : i32
      %swap3A_124 = arith.index_cast %mul3A_123 : i32 to index
      %swap3A_125 = tpu.vector_load %arg11[%swap3A_124] {strides = array<i32>} : memref<512xf32, #tpu.memory_space<vmem>>, vector<16xf32>,
      tpu.vector_store %arg11[%swap3A_124], %scan3A_120 {strides = array<i32>} : memref<512xf32, #tpu.memory_space<vmem>>, vector<16xf32>,
      %add3A_126 = arith.constant 1 : i32
      %add3A_127 = arith.addi %add3A_108, %add3A_126 : i32
      %add3A_128 = arith.constant 0 : i32
      %add3A_129 = arith.addi %add3A_128, %add3A_108 : i32
      %broadcast_in_dim3A_130 = arith.constant 0.000000e+00 : f32
      %broadcast_in_dim3A_131 = vector.broadcast %broadcast_in_dim3A_130 : f32 to vector<16xf32>
      %scan3A_132 = arith.constant 0 : i32
      %scan3A_133 = arith.constant 32 : i32
      %scan3A_134 = arith.addi %scan3A_132, %scan3A_133 : i32
      %scan3A_135 = arith.constant 2 : i32
      %scan3A_136 = scf.for %scan3A_142 = %scan3A_132 to %scan3A_134 step %scan3A_135 iter_args(%scan3A_143 = %broadcast_in_dim3A_131) -> (vector<16xf32>)  : i32 {
        %mul3A_144 = arith.constant 2 : i32
        %mul3A_145 = arith.muli %mul3A_144, %scan3A_142 : i32
        %mul3A_146 = arith.constant 16 : i32
        %mul3A_147 = arith.muli %mul3A_145, %mul3A_146 : i32
        %get3A = arith.index_cast %add3A_127 : i32 to index
        %get3A_148 = arith.index_cast %mul3A_147 : i32 to index
        %get3A_149 = tpu.vector_load %arg5[%get3A, %get3A_148] {strides = array<i32>} : memref<16x1024xi32, #tpu.memory_space<vmem>>, vector<16xi32>,
        %and3A = arith.constant -65536 : i32
        %and3A_150 = vector.broadcast %and3A : i32 to vector<16xi32>
        %and3A_151 = arith.andi %get3A_149, %and3A_150 : vector<16xi32>
        %bitcast3A = vector.bitcast %and3A_151 : vector<16xi32> to vector<16xf32>
        %and3A_152 = arith.constant 65535 : i32
        %and3A_153 = vector.broadcast %and3A_152 : i32 to vector<16xi32>
        %and3A_154 = arith.andi %get3A_149, %and3A_153 : vector<16xi32>
        tpu.vector_store_idx %arg9[%and3A_154], %bitcast3A : memref<1056xf32, #tpu.memory_space<vmem>>[vector<16xi32>], vector<16xf32>,
        %mul3A_155 = arith.constant 2 : i32
        %mul3A_156 = arith.muli %mul3A_155, %scan3A_142 : i32
        %add3A_157 = arith.constant 1 : i32
        %add3A_158 = arith.addi %mul3A_156, %add3A_157 : i32
        %mul3A_159 = arith.constant 16 : i32
        %mul3A_160 = arith.muli %add3A_158, %mul3A_159 : i32
        %get3A_161 = arith.index_cast %add3A_127 : i32 to index
        %get3A_162 = arith.index_cast %mul3A_160 : i32 to index
        %get3A_163 = tpu.vector_load %arg5[%get3A_161, %get3A_162] {strides = array<i32>} : memref<16x1024xi32, #tpu.memory_space<vmem>>, vector<16xi32>,
        %and3A_164 = arith.constant -65536 : i32
        %and3A_165 = vector.broadcast %and3A_164 : i32 to vector<16xi32>
        %and3A_166 = arith.andi %get3A_163, %and3A_165 : vector<16xi32>
        %bitcast3A_167 = vector.bitcast %and3A_166 : vector<16xi32> to vector<16xf32>
        %and3A_168 = arith.constant 65535 : i32
        %and3A_169 = vector.broadcast %and3A_168 : i32 to vector<16xi32>
        %and3A_170 = arith.andi %get3A_163, %and3A_169 : vector<16xi32>
        tpu.vector_store_idx %arg9[%and3A_170], %bitcast3A_167 : memref<1056xf32, #tpu.memory_space<vmem>>[vector<16xi32>], vector<16xf32>,
        %mul3A_171 = arith.constant 1024 : i32
        %mul3A_172 = arith.muli %add3A_108, %mul3A_171 : i32
        %mul3A_173 = arith.constant 2 : i32
        %mul3A_174 = arith.muli %scan3A_142, %mul3A_173 : i32
        %mul3A_175 = arith.constant 16 : i32
        %mul3A_176 = arith.muli %mul3A_174, %mul3A_175 : i32
        %add3A_177 = arith.addi %mul3A_172, %mul3A_176 : i32
        %get3A_178 = arith.index_cast %add3A_177 : i32 to index
        %get3A_179 = tpu.vector_load %arg6[%get3A_178] {strides = array<i32>} : memref<16384xi16, #tpu.memory_space<vmem>>, vector<32xi16>,
        %bitcast3A_180 = vector.bitcast %get3A_179 : vector<32xi16> to vector<16xi32>
        %and3A_181 = arith.constant 65535 : i32
        %and3A_182 = vector.broadcast %and3A_181 : i32 to vector<16xi32>
        %and3A_183 = arith.andi %bitcast3A_180, %and3A_182 : vector<16xi32>
        %gather3A = tpu.vector_load_idx %arg10[%and3A_183] : memref<1056xf32, #tpu.memory_space<vmem>>[vector<16xi32>], vector<16xf32>,
        %add3A_184 = arith.addf %scan3A_143, %gather3A : vector<16xf32>
        %shift_right_logical3A = arith.constant 16 : i32
        %shift_right_logical3A_185 = vector.broadcast %shift_right_logical3A : i32 to vector<16xi32>
        %shift_right_logical3A_186 = arith.shrui %bitcast3A_180, %shift_right_logical3A_185 : vector<16xi32>
        %gather3A_187 = tpu.vector_load_idx %arg10[%shift_right_logical3A_186] : memref<1056xf32, #tpu.memory_space<vmem>>[vector<16xi32>], vector<16xf32>,
        %add3A_188 = arith.addf %add3A_184, %gather3A_187 : vector<16xf32>
        %scan3A_189 = arith.constant 1 : i32
        %scan3A_190 = arith.addi %scan3A_142, %scan3A_189 : i32
        %mul3A_191 = arith.constant 2 : i32
        %mul3A_192 = arith.muli %mul3A_191, %scan3A_190 : i32
        %mul3A_193 = arith.constant 16 : i32
        %mul3A_194 = arith.muli %mul3A_192, %mul3A_193 : i32
        %get3A_195 = arith.index_cast %add3A_127 : i32 to index
        %get3A_196 = arith.index_cast %mul3A_194 : i32 to index
        %get3A_197 = tpu.vector_load %arg5[%get3A_195, %get3A_196] {strides = array<i32>} : memref<16x1024xi32, #tpu.memory_space<vmem>>, vector<16xi32>,
        %and3A_198 = arith.constant -65536 : i32
        %and3A_199 = vector.broadcast %and3A_198 : i32 to vector<16xi32>
        %and3A_200 = arith.andi %get3A_197, %and3A_199 : vector<16xi32>
        %bitcast3A_201 = vector.bitcast %and3A_200 : vector<16xi32> to vector<16xf32>
        %and3A_202 = arith.constant 65535 : i32
        %and3A_203 = vector.broadcast %and3A_202 : i32 to vector<16xi32>
        %and3A_204 = arith.andi %get3A_197, %and3A_203 : vector<16xi32>
        tpu.vector_store_idx %arg9[%and3A_204], %bitcast3A_201 : memref<1056xf32, #tpu.memory_space<vmem>>[vector<16xi32>], vector<16xf32>,
        %mul3A_205 = arith.constant 2 : i32
        %mul3A_206 = arith.muli %mul3A_205, %scan3A_190 : i32
        %add3A_207 = arith.constant 1 : i32
        %add3A_208 = arith.addi %mul3A_206, %add3A_207 : i32
        %mul3A_209 = arith.constant 16 : i32
        %mul3A_210 = arith.muli %add3A_208, %mul3A_209 : i32
        %get3A_211 = arith.index_cast %add3A_127 : i32 to index
        %get3A_212 = arith.index_cast %mul3A_210 : i32 to index
        %get3A_213 = tpu.vector_load %arg5[%get3A_211, %get3A_212] {strides = array<i32>} : memref<16x1024xi32, #tpu.memory_space<vmem>>, vector<16xi32>,
        %and3A_214 = arith.constant -65536 : i32
        %and3A_215 = vector.broadcast %and3A_214 : i32 to vector<16xi32>
        %and3A_216 = arith.andi %get3A_213, %and3A_215 : vector<16xi32>
        %bitcast3A_217 = vector.bitcast %and3A_216 : vector<16xi32> to vector<16xf32>
        %and3A_218 = arith.constant 65535 : i32
        %and3A_219 = vector.broadcast %and3A_218 : i32 to vector<16xi32>
        %and3A_220 = arith.andi %get3A_213, %and3A_219 : vector<16xi32>
        tpu.vector_store_idx %arg9[%and3A_220], %bitcast3A_217 : memref<1056xf32, #tpu.memory_space<vmem>>[vector<16xi32>], vector<16xf32>,
        %mul3A_221 = arith.constant 1024 : i32
        %mul3A_222 = arith.muli %add3A_108, %mul3A_221 : i32
        %mul3A_223 = arith.constant 2 : i32
        %mul3A_224 = arith.muli %scan3A_190, %mul3A_223 : i32
        %mul3A_225 = arith.constant 16 : i32
        %mul3A_226 = arith.muli %mul3A_224, %mul3A_225 : i32
        %add3A_227 = arith.addi %mul3A_222, %mul3A_226 : i32
        %get3A_228 = arith.index_cast %add3A_227 : i32 to index
        %get3A_229 = tpu.vector_load %arg6[%get3A_228] {strides = array<i32>} : memref<16384xi16, #tpu.memory_space<vmem>>, vector<32xi16>,
        %bitcast3A_230 = vector.bitcast %get3A_229 : vector<32xi16> to vector<16xi32>
        %and3A_231 = arith.constant 65535 : i32
        %and3A_232 = vector.broadcast %and3A_231 : i32 to vector<16xi32>
        %and3A_233 = arith.andi %bitcast3A_230, %and3A_232 : vector<16xi32>
        %gather3A_234 = tpu.vector_load_idx %arg10[%and3A_233] : memref<1056xf32, #tpu.memory_space<vmem>>[vector<16xi32>], vector<16xf32>,
        %add3A_235 = arith.addf %add3A_188, %gather3A_234 : vector<16xf32>
        %shift_right_logical3A_236 = arith.constant 16 : i32
        %shift_right_logical3A_237 = vector.broadcast %shift_right_logical3A_236 : i32 to vector<16xi32>
        %shift_right_logical3A_238 = arith.shrui %bitcast3A_230, %shift_right_logical3A_237 : vector<16xi32>
        %gather3A_239 = tpu.vector_load_idx %arg10[%shift_right_logical3A_238] : memref<1056xf32, #tpu.memory_space<vmem>>[vector<16xi32>], vector<16xf32>,
        %add3A_240 = arith.addf %add3A_235, %gather3A_239 : vector<16xf32>
        scf.yield %add3A_240 : vector<16xf32>
      }
      %scan3A_137 = arith.constant 32 : i32
      %mul3A_138 = arith.constant 16 : i32
      %mul3A_139 = arith.muli %add3A_129, %mul3A_138 : i32
      %swap3A_140 = arith.index_cast %mul3A_139 : i32 to index
      %swap3A_141 = tpu.vector_load %arg11[%swap3A_140] {strides = array<i32>} : memref<512xf32, #tpu.memory_space<vmem>>, vector<16xf32>,
      tpu.vector_store %arg11[%swap3A_140], %scan3A_136 {strides = array<i32>} : memref<512xf32, #tpu.memory_space<vmem>>, vector<16xf32>,
    }
    %scan3A_43 = arith.constant 7 : i32
    %broadcast_in_dim3A_44 = arith.constant 0.000000e+00 : f32
    %broadcast_in_dim3A_45 = vector.broadcast %broadcast_in_dim3A_44 : f32 to vector<16xf32>
    %scan3A_46 = arith.constant 0 : i32
    %scan3A_47 = arith.constant 32 : i32
    %scan3A_48 = arith.addi %scan3A_46, %scan3A_47 : i32
    %scan3A_49 = arith.constant 2 : i32
    %scan3A_50 = scf.for %scan3A_104 = %scan3A_46 to %scan3A_48 step %scan3A_49 iter_args(%scan3A_105 = %broadcast_in_dim3A_45) -> (vector<16xf32>)  : i32 {
      %mul3A_106 = arith.constant 2 : i32
      %mul3A_107 = arith.muli %mul3A_106, %scan3A_104 : i32
      %mul3A_108 = arith.constant 16 : i32
      %mul3A_109 = arith.muli %mul3A_107, %mul3A_108 : i32
      %get3A = arith.constant 15 : i32
      %get3A_110 = arith.index_cast %get3A : i32 to index
      %get3A_111 = arith.index_cast %mul3A_109 : i32 to index
      %get3A_112 = tpu.vector_load %arg5[%get3A_110, %get3A_111] {strides = array<i32>} : memref<16x1024xi32, #tpu.memory_space<vmem>>, vector<16xi32>,
      %and3A = arith.constant -65536 : i32
      %and3A_113 = vector.broadcast %and3A : i32 to vector<16xi32>
      %and3A_114 = arith.andi %get3A_112, %and3A_113 : vector<16xi32>
      %bitcast3A = vector.bitcast %and3A_114 : vector<16xi32> to vector<16xf32>
      %and3A_115 = arith.constant 65535 : i32
      %and3A_116 = vector.broadcast %and3A_115 : i32 to vector<16xi32>
      %and3A_117 = arith.andi %get3A_112, %and3A_116 : vector<16xi32>
      tpu.vector_store_idx %arg10[%and3A_117], %bitcast3A : memref<1056xf32, #tpu.memory_space<vmem>>[vector<16xi32>], vector<16xf32>,
      %mul3A_118 = arith.constant 2 : i32
      %mul3A_119 = arith.muli %mul3A_118, %scan3A_104 : i32
      %add3A_120 = arith.constant 1 : i32
      %add3A_121 = arith.addi %mul3A_119, %add3A_120 : i32
      %mul3A_122 = arith.constant 16 : i32
      %mul3A_123 = arith.muli %add3A_121, %mul3A_122 : i32
      %get3A_124 = arith.constant 15 : i32
      %get3A_125 = arith.index_cast %get3A_124 : i32 to index
      %get3A_126 = arith.index_cast %mul3A_123 : i32 to index
      %get3A_127 = tpu.vector_load %arg5[%get3A_125, %get3A_126] {strides = array<i32>} : memref<16x1024xi32, #tpu.memory_space<vmem>>, vector<16xi32>,
      %and3A_128 = arith.constant -65536 : i32
      %and3A_129 = vector.broadcast %and3A_128 : i32 to vector<16xi32>
      %and3A_130 = arith.andi %get3A_127, %and3A_129 : vector<16xi32>
      %bitcast3A_131 = vector.bitcast %and3A_130 : vector<16xi32> to vector<16xf32>
      %and3A_132 = arith.constant 65535 : i32
      %and3A_133 = vector.broadcast %and3A_132 : i32 to vector<16xi32>
      %and3A_134 = arith.andi %get3A_127, %and3A_133 : vector<16xi32>
      tpu.vector_store_idx %arg10[%and3A_134], %bitcast3A_131 : memref<1056xf32, #tpu.memory_space<vmem>>[vector<16xi32>], vector<16xf32>,
      %mul3A_135 = arith.constant 2 : i32
      %mul3A_136 = arith.muli %scan3A_104, %mul3A_135 : i32
      %mul3A_137 = arith.constant 16 : i32
      %mul3A_138 = arith.muli %mul3A_136, %mul3A_137 : i32
      %add3A_139 = arith.constant 14336 : i32
      %add3A_140 = arith.addi %add3A_139, %mul3A_138 : i32
      %get3A_141 = arith.index_cast %add3A_140 : i32 to index
      %get3A_142 = tpu.vector_load %arg6[%get3A_141] {strides = array<i32>} : memref<16384xi16, #tpu.memory_space<vmem>>, vector<32xi16>,
      %bitcast3A_143 = vector.bitcast %get3A_142 : vector<32xi16> to vector<16xi32>
      %and3A_144 = arith.constant 65535 : i32
      %and3A_145 = vector.broadcast %and3A_144 : i32 to vector<16xi32>
      %and3A_146 = arith.andi %bitcast3A_143, %and3A_145 : vector<16xi32>
      %gather3A = tpu.vector_load_idx %arg9[%and3A_146] : memref<1056xf32, #tpu.memory_space<vmem>>[vector<16xi32>], vector<16xf32>,
      %add3A_147 = arith.addf %scan3A_105, %gather3A : vector<16xf32>
      %shift_right_logical3A = arith.constant 16 : i32
      %shift_right_logical3A_148 = vector.broadcast %shift_right_logical3A : i32 to vector<16xi32>
      %shift_right_logical3A_149 = arith.shrui %bitcast3A_143, %shift_right_logical3A_148 : vector<16xi32>
      %gather3A_150 = tpu.vector_load_idx %arg9[%shift_right_logical3A_149] : memref<1056xf32, #tpu.memory_space<vmem>>[vector<16xi32>], vector<16xf32>,
      %add3A_151 = arith.addf %add3A_147, %gather3A_150 : vector<16xf32>
      %scan3A_152 = arith.constant 1 : i32
      %scan3A_153 = arith.addi %scan3A_104, %scan3A_152 : i32
      %mul3A_154 = arith.constant 2 : i32
      %mul3A_155 = arith.muli %mul3A_154, %scan3A_153 : i32
      %mul3A_156 = arith.constant 16 : i32
      %mul3A_157 = arith.muli %mul3A_155, %mul3A_156 : i32
      %get3A_158 = arith.constant 15 : i32
      %get3A_159 = arith.index_cast %get3A_158 : i32 to index
      %get3A_160 = arith.index_cast %mul3A_157 : i32 to index
      %get3A_161 = tpu.vector_load %arg5[%get3A_159, %get3A_160] {strides = array<i32>} : memref<16x1024xi32, #tpu.memory_space<vmem>>, vector<16xi32>,
      %and3A_162 = arith.constant -65536 : i32
      %and3A_163 = vector.broadcast %and3A_162 : i32 to vector<16xi32>
      %and3A_164 = arith.andi %get3A_161, %and3A_163 : vector<16xi32>
      %bitcast3A_165 = vector.bitcast %and3A_164 : vector<16xi32> to vector<16xf32>
      %and3A_166 = arith.constant 65535 : i32
      %and3A_167 = vector.broadcast %and3A_166 : i32 to vector<16xi32>
      %and3A_168 = arith.andi %get3A_161, %and3A_167 : vector<16xi32>
      tpu.vector_store_idx %arg10[%and3A_168], %bitcast3A_165 : memref<1056xf32, #tpu.memory_space<vmem>>[vector<16xi32>], vector<16xf32>,
      %mul3A_169 = arith.constant 2 : i32
      %mul3A_170 = arith.muli %mul3A_169, %scan3A_153 : i32
      %add3A_171 = arith.constant 1 : i32
      %add3A_172 = arith.addi %mul3A_170, %add3A_171 : i32
      %mul3A_173 = arith.constant 16 : i32
      %mul3A_174 = arith.muli %add3A_172, %mul3A_173 : i32
      %get3A_175 = arith.constant 15 : i32
      %get3A_176 = arith.index_cast %get3A_175 : i32 to index
      %get3A_177 = arith.index_cast %mul3A_174 : i32 to index
      %get3A_178 = tpu.vector_load %arg5[%get3A_176, %get3A_177] {strides = array<i32>} : memref<16x1024xi32, #tpu.memory_space<vmem>>, vector<16xi32>,
      %and3A_179 = arith.constant -65536 : i32
      %and3A_180 = vector.broadcast %and3A_179 : i32 to vector<16xi32>
      %and3A_181 = arith.andi %get3A_178, %and3A_180 : vector<16xi32>
      %bitcast3A_182 = vector.bitcast %and3A_181 : vector<16xi32> to vector<16xf32>
      %and3A_183 = arith.constant 65535 : i32
      %and3A_184 = vector.broadcast %and3A_183 : i32 to vector<16xi32>
      %and3A_185 = arith.andi %get3A_178, %and3A_184 : vector<16xi32>
      tpu.vector_store_idx %arg10[%and3A_185], %bitcast3A_182 : memref<1056xf32, #tpu.memory_space<vmem>>[vector<16xi32>], vector<16xf32>,
      %mul3A_186 = arith.constant 2 : i32
      %mul3A_187 = arith.muli %scan3A_153, %mul3A_186 : i32
      %mul3A_188 = arith.constant 16 : i32
      %mul3A_189 = arith.muli %mul3A_187, %mul3A_188 : i32
      %add3A_190 = arith.constant 14336 : i32
      %add3A_191 = arith.addi %add3A_190, %mul3A_189 : i32
      %get3A_192 = arith.index_cast %add3A_191 : i32 to index
      %get3A_193 = tpu.vector_load %arg6[%get3A_192] {strides = array<i32>} : memref<16384xi16, #tpu.memory_space<vmem>>, vector<32xi16>,
      %bitcast3A_194 = vector.bitcast %get3A_193 : vector<32xi16> to vector<16xi32>
      %and3A_195 = arith.constant 65535 : i32
      %and3A_196 = vector.broadcast %and3A_195 : i32 to vector<16xi32>
      %and3A_197 = arith.andi %bitcast3A_194, %and3A_196 : vector<16xi32>
      %gather3A_198 = tpu.vector_load_idx %arg9[%and3A_197] : memref<1056xf32, #tpu.memory_space<vmem>>[vector<16xi32>], vector<16xf32>,
      %add3A_199 = arith.addf %add3A_151, %gather3A_198 : vector<16xf32>
      %shift_right_logical3A_200 = arith.constant 16 : i32
      %shift_right_logical3A_201 = vector.broadcast %shift_right_logical3A_200 : i32 to vector<16xi32>
      %shift_right_logical3A_202 = arith.shrui %bitcast3A_194, %shift_right_logical3A_201 : vector<16xi32>
      %gather3A_203 = tpu.vector_load_idx %arg9[%shift_right_logical3A_202] : memref<1056xf32, #tpu.memory_space<vmem>>[vector<16xi32>], vector<16xf32>,
      %add3A_204 = arith.addf %add3A_199, %gather3A_203 : vector<16xf32>
      scf.yield %add3A_204 : vector<16xf32>
    }
    %scan3A_51 = arith.constant 32 : i32
    %swap3A_52 = arith.constant 224 : index
    %swap3A_53 = tpu.vector_load %arg11[%swap3A_52] {strides = array<i32>} : memref<512xf32, #tpu.memory_space<vmem>>, vector<16xf32>,
    tpu.vector_store %arg11[%swap3A_52], %scan3A_50 {strides = array<i32>} : memref<512xf32, #tpu.memory_space<vmem>>, vector<16xf32>,
    %broadcast_in_dim3A_54 = arith.constant 0.000000e+00 : f32
    %broadcast_in_dim3A_55 = vector.broadcast %broadcast_in_dim3A_54 : f32 to vector<16xf32>
    %scan3A_56 = arith.constant 0 : i32
    %scan3A_57 = arith.constant 32 : i32
    %scan3A_58 = arith.addi %scan3A_56, %scan3A_57 : i32
    %scan3A_59 = arith.constant 4 : i32
    %scan3A_60 = scf.for %scan3A_104 = %scan3A_56 to %scan3A_58 step %scan3A_59 iter_args(%scan3A_105 = %broadcast_in_dim3A_55) -> (vector<16xf32>)  : i32 {
      %mul3A_106 = arith.constant 2 : i32
      %mul3A_107 = arith.muli %scan3A_104, %mul3A_106 : i32
      %mul3A_108 = arith.constant 16 : i32
      %mul3A_109 = arith.muli %mul3A_107, %mul3A_108 : i32
      %add3A_110 = arith.constant 15360 : i32
      %add3A_111 = arith.addi %add3A_110, %mul3A_109 : i32
      %get3A = arith.index_cast %add3A_111 : i32 to index
      %get3A_112 = tpu.vector_load %arg6[%get3A] {strides = array<i32>} : memref<16384xi16, #tpu.memory_space<vmem>>, vector<32xi16>,
      %bitcast3A = vector.bitcast %get3A_112 : vector<32xi16> to vector<16xi32>
      %and3A = arith.constant 65535 : i32
      %and3A_113 = vector.broadcast %and3A : i32 to vector<16xi32>
      %and3A_114 = arith.andi %bitcast3A, %and3A_113 : vector<16xi32>
      %gather3A = tpu.vector_load_idx %arg10[%and3A_114] : memref<1056xf32, #tpu.memory_space<vmem>>[vector<16xi32>], vector<16xf32>,
      %add3A_115 = arith.addf %scan3A_105, %gather3A : vector<16xf32>
      %shift_right_logical3A = arith.constant 16 : i32
      %shift_right_logical3A_116 = vector.broadcast %shift_right_logical3A : i32 to vector<16xi32>
      %shift_right_logical3A_117 = arith.shrui %bitcast3A, %shift_right_logical3A_116 : vector<16xi32>
      %gather3A_118 = tpu.vector_load_idx %arg10[%shift_right_logical3A_117] : memref<1056xf32, #tpu.memory_space<vmem>>[vector<16xi32>], vector<16xf32>,
      %add3A_119 = arith.addf %add3A_115, %gather3A_118 : vector<16xf32>
      %scan3A_120 = arith.constant 1 : i32
      %scan3A_121 = arith.addi %scan3A_104, %scan3A_120 : i32
      %mul3A_122 = arith.constant 2 : i32
      %mul3A_123 = arith.muli %scan3A_121, %mul3A_122 : i32
      %mul3A_124 = arith.constant 16 : i32
      %mul3A_125 = arith.muli %mul3A_123, %mul3A_124 : i32
      %add3A_126 = arith.constant 15360 : i32
      %add3A_127 = arith.addi %add3A_126, %mul3A_125 : i32
      %get3A_128 = arith.index_cast %add3A_127 : i32 to index
      %get3A_129 = tpu.vector_load %arg6[%get3A_128] {strides = array<i32>} : memref<16384xi16, #tpu.memory_space<vmem>>, vector<32xi16>,
      %bitcast3A_130 = vector.bitcast %get3A_129 : vector<32xi16> to vector<16xi32>
      %and3A_131 = arith.constant 65535 : i32
      %and3A_132 = vector.broadcast %and3A_131 : i32 to vector<16xi32>
      %and3A_133 = arith.andi %bitcast3A_130, %and3A_132 : vector<16xi32>
      %gather3A_134 = tpu.vector_load_idx %arg10[%and3A_133] : memref<1056xf32, #tpu.memory_space<vmem>>[vector<16xi32>], vector<16xf32>,
      %add3A_135 = arith.addf %add3A_119, %gather3A_134 : vector<16xf32>
      %shift_right_logical3A_136 = arith.constant 16 : i32
      %shift_right_logical3A_137 = vector.broadcast %shift_right_logical3A_136 : i32 to vector<16xi32>
      %shift_right_logical3A_138 = arith.shrui %bitcast3A_130, %shift_right_logical3A_137 : vector<16xi32>
      %gather3A_139 = tpu.vector_load_idx %arg10[%shift_right_logical3A_138] : memref<1056xf32, #tpu.memory_space<vmem>>[vector<16xi32>], vector<16xf32>,
      %add3A_140 = arith.addf %add3A_135, %gather3A_139 : vector<16xf32>
      %scan3A_141 = arith.constant 2 : i32
      %scan3A_142 = arith.addi %scan3A_104, %scan3A_141 : i32
      %mul3A_143 = arith.constant 2 : i32
      %mul3A_144 = arith.muli %scan3A_142, %mul3A_143 : i32
      %mul3A_145 = arith.constant 16 : i32
      %mul3A_146 = arith.muli %mul3A_144, %mul3A_145 : i32
      %add3A_147 = arith.constant 15360 : i32
      %add3A_148 = arith.addi %add3A_147, %mul3A_146 : i32
      %get3A_149 = arith.index_cast %add3A_148 : i32 to index
      %get3A_150 = tpu.vector_load %arg6[%get3A_149] {strides = array<i32>} : memref<16384xi16, #tpu.memory_space<vmem>>, vector<32xi16>,
      %bitcast3A_151 = vector.bitcast %get3A_150 : vector<32xi16> to vector<16xi32>
      %and3A_152 = arith.constant 65535 : i32
      %and3A_153 = vector.broadcast %and3A_152 : i32 to vector<16xi32>
      %and3A_154 = arith.andi %bitcast3A_151, %and3A_153 : vector<16xi32>
      %gather3A_155 = tpu.vector_load_idx %arg10[%and3A_154] : memref<1056xf32, #tpu.memory_space<vmem>>[vector<16xi32>], vector<16xf32>,
      %add3A_156 = arith.addf %add3A_140, %gather3A_155 : vector<16xf32>
      %shift_right_logical3A_157 = arith.constant 16 : i32
      %shift_right_logical3A_158 = vector.broadcast %shift_right_logical3A_157 : i32 to vector<16xi32>
      %shift_right_logical3A_159 = arith.shrui %bitcast3A_151, %shift_right_logical3A_158 : vector<16xi32>
      %gather3A_160 = tpu.vector_load_idx %arg10[%shift_right_logical3A_159] : memref<1056xf32, #tpu.memory_space<vmem>>[vector<16xi32>], vector<16xf32>,
      %add3A_161 = arith.addf %add3A_156, %gather3A_160 : vector<16xf32>
      %scan3A_162 = arith.constant 3 : i32
      %scan3A_163 = arith.addi %scan3A_104, %scan3A_162 : i32
      %mul3A_164 = arith.constant 2 : i32
      %mul3A_165 = arith.muli %scan3A_163, %mul3A_164 : i32
      %mul3A_166 = arith.constant 16 : i32
      %mul3A_167 = arith.muli %mul3A_165, %mul3A_166 : i32
      %add3A_168 = arith.constant 15360 : i32
      %add3A_169 = arith.addi %add3A_168, %mul3A_167 : i32
      %get3A_170 = arith.index_cast %add3A_169 : i32 to index
      %get3A_171 = tpu.vector_load %arg6[%get3A_170] {strides = array<i32>} : memref<16384xi16, #tpu.memory_space<vmem>>, vector<32xi16>,
      %bitcast3A_172 = vector.bitcast %get3A_171 : vector<32xi16> to vector<16xi32>
      %and3A_173 = arith.constant 65535 : i32
      %and3A_174 = vector.broadcast %and3A_173 : i32 to vector<16xi32>
      %and3A_175 = arith.andi %bitcast3A_172, %and3A_174 : vector<16xi32>
      %gather3A_176 = tpu.vector_load_idx %arg10[%and3A_175] : memref<1056xf32, #tpu.memory_space<vmem>>[vector<16xi32>], vector<16xf32>,
      %add3A_177 = arith.addf %add3A_161, %gather3A_176 : vector<16xf32>
      %shift_right_logical3A_178 = arith.constant 16 : i32
      %shift_right_logical3A_179 = vector.broadcast %shift_right_logical3A_178 : i32 to vector<16xi32>
      %shift_right_logical3A_180 = arith.shrui %bitcast3A_172, %shift_right_logical3A_179 : vector<16xi32>
      %gather3A_181 = tpu.vector_load_idx %arg10[%shift_right_logical3A_180] : memref<1056xf32, #tpu.memory_space<vmem>>[vector<16xi32>], vector<16xf32>,
      %add3A_182 = arith.addf %add3A_177, %gather3A_181 : vector<16xf32>
      scf.yield %add3A_182 : vector<16xf32>
    }
    %scan3A_61 = arith.constant 32 : i32
    %swap3A_62 = arith.constant 240 : index
    %swap3A_63 = tpu.vector_load %arg11[%swap3A_62] {strides = array<i32>} : memref<512xf32, #tpu.memory_space<vmem>>, vector<16xf32>,
    tpu.vector_store %arg11[%swap3A_62], %scan3A_60 {strides = array<i32>} : memref<512xf32, #tpu.memory_space<vmem>>, vector<16xf32>,
    %dma_wait3A_64 = arith.constant 0 : i32
    %dma_wait3A_65 = tpu.memref_slice %arg2[%add3A_24, %dma_wait3A_64] : memref<1024x1024xi32, #tpu.memory_space<hbm>> -> memref<16x1024xi32, #tpu.memory_space<hbm>>
    %dma_wait3A_66 = arith.constant 0 : i32
    %dma_wait3A_67 = tpu.memref_slice %arg2[%add3A_24, %dma_wait3A_66] : memref<1024x1024xi32, #tpu.memory_space<hbm>> -> memref<16x1024xi32, #tpu.memory_space<hbm>>
    tpu.wait_dma2 semaphore(%arg13 : memref<!tpu.dma_semaphore, #tpu.memory_space<semaphore_mem>>) src(%dma_wait3A_67 : memref<16x1024xi32, #tpu.memory_space<hbm>>) dst(%arg7 : memref<16x1024xi32, #tpu.memory_space<vmem>>)
    %dma_wait3A_68 = tpu.memref_slice %arg3[%mul3A_30] : memref<1048576xi16, #tpu.memory_space<hbm>> -> memref<16384xi16, #tpu.memory_space<hbm>>
    %dma_wait3A_69 = tpu.memref_slice %arg3[%mul3A_30] : memref<1048576xi16, #tpu.memory_space<hbm>> -> memref<16384xi16, #tpu.memory_space<hbm>>
    tpu.wait_dma2 semaphore(%arg13 : memref<!tpu.dma_semaphore, #tpu.memory_space<semaphore_mem>>) src(%dma_wait3A_69 : memref<16384xi16, #tpu.memory_space<hbm>>) dst(%arg8 : memref<16384xi16, #tpu.memory_space<vmem>>)
    %scan3A_70 = arith.constant 0 : i32
    %scan3A_71 = arith.constant 0 : i32
    %scan3A_72 = arith.constant 64 : i32
    %scan3A_73 = arith.addi %scan3A_71, %scan3A_72 : i32
    %scan3A_74 = arith.constant 4 : i32
    scf.for %scan3A_104 = %scan3A_71 to %scan3A_73 step %scan3A_74  : i32 {
      %mul3A_105 = arith.constant 16 : i32
      %mul3A_106 = arith.muli %scan3A_104, %mul3A_105 : i32
      %get3A = arith.constant 0 : i32
      %get3A_107 = arith.index_cast %get3A : i32 to index
      %get3A_108 = arith.index_cast %mul3A_106 : i32 to index
      %get3A_109 = tpu.vector_load %arg7[%get3A_107, %get3A_108] {strides = array<i32>} : memref<16x1024xi32, #tpu.memory_space<vmem>>, vector<16xi32>,
      %and3A = arith.constant -65536 : i32
      %and3A_110 = vector.broadcast %and3A : i32 to vector<16xi32>
      %and3A_111 = arith.andi %get3A_109, %and3A_110 : vector<16xi32>
      %bitcast3A = vector.bitcast %and3A_111 : vector<16xi32> to vector<16xf32>
      %and3A_112 = arith.constant 65535 : i32
      %and3A_113 = vector.broadcast %and3A_112 : i32 to vector<16xi32>
      %and3A_114 = arith.andi %get3A_109, %and3A_113 : vector<16xi32>
      tpu.vector_store_idx %arg9[%and3A_114], %bitcast3A : memref<1056xf32, #tpu.memory_space<vmem>>[vector<16xi32>], vector<16xf32>,
      %scan3A_115 = arith.constant 1 : i32
      %scan3A_116 = arith.addi %scan3A_104, %scan3A_115 : i32
      %mul3A_117 = arith.constant 16 : i32
      %mul3A_118 = arith.muli %scan3A_116, %mul3A_117 : i32
      %get3A_119 = arith.constant 0 : i32
      %get3A_120 = arith.index_cast %get3A_119 : i32 to index
      %get3A_121 = arith.index_cast %mul3A_118 : i32 to index
      %get3A_122 = tpu.vector_load %arg7[%get3A_120, %get3A_121] {strides = array<i32>} : memref<16x1024xi32, #tpu.memory_space<vmem>>, vector<16xi32>,
      %and3A_123 = arith.constant -65536 : i32
      %and3A_124 = vector.broadcast %and3A_123 : i32 to vector<16xi32>
      %and3A_125 = arith.andi %get3A_122, %and3A_124 : vector<16xi32>
      %bitcast3A_126 = vector.bitcast %and3A_125 : vector<16xi32> to vector<16xf32>
      %and3A_127 = arith.constant 65535 : i32
      %and3A_128 = vector.broadcast %and3A_127 : i32 to vector<16xi32>
      %and3A_129 = arith.andi %get3A_122, %and3A_128 : vector<16xi32>
      tpu.vector_store_idx %arg9[%and3A_129], %bitcast3A_126 : memref<1056xf32, #tpu.memory_space<vmem>>[vector<16xi32>], vector<16xf32>,
      %scan3A_130 = arith.constant 2 : i32
      %scan3A_131 = arith.addi %scan3A_104, %scan3A_130 : i32
      %mul3A_132 = arith.constant 16 : i32
      %mul3A_133 = arith.muli %scan3A_131, %mul3A_132 : i32
      %get3A_134 = arith.constant 0 : i32
      %get3A_135 = arith.index_cast %get3A_134 : i32 to index
      %get3A_136 = arith.index_cast %mul3A_133 : i32 to index
      %get3A_137 = tpu.vector_load %arg7[%get3A_135, %get3A_136] {strides = array<i32>} : memref<16x1024xi32, #tpu.memory_space<vmem>>, vector<16xi32>,
      %and3A_138 = arith.constant -65536 : i32
      %and3A_139 = vector.broadcast %and3A_138 : i32 to vector<16xi32>
      %and3A_140 = arith.andi %get3A_137, %and3A_139 : vector<16xi32>
      %bitcast3A_141 = vector.bitcast %and3A_140 : vector<16xi32> to vector<16xf32>
      %and3A_142 = arith.constant 65535 : i32
      %and3A_143 = vector.broadcast %and3A_142 : i32 to vector<16xi32>
      %and3A_144 = arith.andi %get3A_137, %and3A_143 : vector<16xi32>
      tpu.vector_store_idx %arg9[%and3A_144], %bitcast3A_141 : memref<1056xf32, #tpu.memory_space<vmem>>[vector<16xi32>], vector<16xf32>,
      %scan3A_145 = arith.constant 3 : i32
      %scan3A_146 = arith.addi %scan3A_104, %scan3A_145 : i32
      %mul3A_147 = arith.constant 16 : i32
      %mul3A_148 = arith.muli %scan3A_146, %mul3A_147 : i32
      %get3A_149 = arith.constant 0 : i32
      %get3A_150 = arith.index_cast %get3A_149 : i32 to index
      %get3A_151 = arith.index_cast %mul3A_148 : i32 to index
      %get3A_152 = tpu.vector_load %arg7[%get3A_150, %get3A_151] {strides = array<i32>} : memref<16x1024xi32, #tpu.memory_space<vmem>>, vector<16xi32>,
      %and3A_153 = arith.constant -65536 : i32
      %and3A_154 = vector.broadcast %and3A_153 : i32 to vector<16xi32>
      %and3A_155 = arith.andi %get3A_152, %and3A_154 : vector<16xi32>
      %bitcast3A_156 = vector.bitcast %and3A_155 : vector<16xi32> to vector<16xf32>
      %and3A_157 = arith.constant 65535 : i32
      %and3A_158 = vector.broadcast %and3A_157 : i32 to vector<16xi32>
      %and3A_159 = arith.andi %get3A_152, %and3A_158 : vector<16xi32>
      tpu.vector_store_idx %arg9[%and3A_159], %bitcast3A_156 : memref<1056xf32, #tpu.memory_space<vmem>>[vector<16xi32>], vector<16xf32>,
    }
    %scan3A_75 = arith.constant 64 : i32
    %scan3A_76 = arith.constant 0 : i32
    %scan3A_77 = arith.constant 0 : i32
    %scan3A_78 = arith.constant 7 : i32
    %scan3A_79 = arith.addi %scan3A_77, %scan3A_78 : i32
    %scan3A_80 = arith.constant 1 : i32
    scf.for %scan3A_104 = %scan3A_77 to %scan3A_79 step %scan3A_80  : i32 {
      %mul3A_105 = arith.constant 2 : i32
      %mul3A_106 = arith.muli %mul3A_105, %scan3A_104 : i32
      %add3A_107 = arith.constant 1 : i32
      %add3A_108 = arith.addi %mul3A_106, %add3A_107 : i32
      %sub3A = arith.constant 1 : i32
      %sub3A_109 = arith.subi %add3A_108, %sub3A : i32
      %add3A_110 = arith.constant 16 : i32
      %add3A_111 = arith.addi %add3A_110, %add3A_108 : i32
      %sub3A_112 = arith.constant 1 : i32
      %sub3A_113 = arith.subi %add3A_111, %sub3A_112 : i32
      %broadcast_in_dim3A_114 = arith.constant 0.000000e+00 : f32
      %broadcast_in_dim3A_115 = vector.broadcast %broadcast_in_dim3A_114 : f32 to vector<16xf32>
      %scan3A_116 = arith.constant 0 : i32
      %scan3A_117 = arith.constant 32 : i32
      %scan3A_118 = arith.addi %scan3A_116, %scan3A_117 : i32
      %scan3A_119 = arith.constant 2 : i32
      %scan3A_120 = scf.for %scan3A_142 = %scan3A_116 to %scan3A_118 step %scan3A_119 iter_args(%scan3A_143 = %broadcast_in_dim3A_115) -> (vector<16xf32>)  : i32 {
        %mul3A_144 = arith.constant 2 : i32
        %mul3A_145 = arith.muli %mul3A_144, %scan3A_142 : i32
        %mul3A_146 = arith.constant 16 : i32
        %mul3A_147 = arith.muli %mul3A_145, %mul3A_146 : i32
        %get3A = arith.index_cast %add3A_108 : i32 to index
        %get3A_148 = arith.index_cast %mul3A_147 : i32 to index
        %get3A_149 = tpu.vector_load %arg7[%get3A, %get3A_148] {strides = array<i32>} : memref<16x1024xi32, #tpu.memory_space<vmem>>, vector<16xi32>,
        %and3A = arith.constant -65536 : i32
        %and3A_150 = vector.broadcast %and3A : i32 to vector<16xi32>
        %and3A_151 = arith.andi %get3A_149, %and3A_150 : vector<16xi32>
        %bitcast3A = vector.bitcast %and3A_151 : vector<16xi32> to vector<16xf32>
        %and3A_152 = arith.constant 65535 : i32
        %and3A_153 = vector.broadcast %and3A_152 : i32 to vector<16xi32>
        %and3A_154 = arith.andi %get3A_149, %and3A_153 : vector<16xi32>
        tpu.vector_store_idx %arg10[%and3A_154], %bitcast3A : memref<1056xf32, #tpu.memory_space<vmem>>[vector<16xi32>], vector<16xf32>,
        %mul3A_155 = arith.constant 2 : i32
        %mul3A_156 = arith.muli %mul3A_155, %scan3A_142 : i32
        %add3A_157 = arith.constant 1 : i32
        %add3A_158 = arith.addi %mul3A_156, %add3A_157 : i32
        %mul3A_159 = arith.constant 16 : i32
        %mul3A_160 = arith.muli %add3A_158, %mul3A_159 : i32
        %get3A_161 = arith.index_cast %add3A_108 : i32 to index
        %get3A_162 = arith.index_cast %mul3A_160 : i32 to index
        %get3A_163 = tpu.vector_load %arg7[%get3A_161, %get3A_162] {strides = array<i32>} : memref<16x1024xi32, #tpu.memory_space<vmem>>, vector<16xi32>,
        %and3A_164 = arith.constant -65536 : i32
        %and3A_165 = vector.broadcast %and3A_164 : i32 to vector<16xi32>
        %and3A_166 = arith.andi %get3A_163, %and3A_165 : vector<16xi32>
        %bitcast3A_167 = vector.bitcast %and3A_166 : vector<16xi32> to vector<16xf32>
        %and3A_168 = arith.constant 65535 : i32
        %and3A_169 = vector.broadcast %and3A_168 : i32 to vector<16xi32>
        %and3A_170 = arith.andi %get3A_163, %and3A_169 : vector<16xi32>
        tpu.vector_store_idx %arg10[%and3A_170], %bitcast3A_167 : memref<1056xf32, #tpu.memory_space<vmem>>[vector<16xi32>], vector<16xf32>,
        %mul3A_171 = arith.constant 1024 : i32
        %mul3A_172 = arith.muli %sub3A_109, %mul3A_171 : i32
        %mul3A_173 = arith.constant 2 : i32
        %mul3A_174 = arith.muli %scan3A_142, %mul3A_173 : i32
        %mul3A_175 = arith.constant 16 : i32
        %mul3A_176 = arith.muli %mul3A_174, %mul3A_175 : i32
        %add3A_177 = arith.addi %mul3A_172, %mul3A_176 : i32
        %get3A_178 = arith.index_cast %add3A_177 : i32 to index
        %get3A_179 = tpu.vector_load %arg8[%get3A_178] {strides = array<i32>} : memref<16384xi16, #tpu.memory_space<vmem>>, vector<32xi16>,
        %bitcast3A_180 = vector.bitcast %get3A_179 : vector<32xi16> to vector<16xi32>
        %and3A_181 = arith.constant 65535 : i32
        %and3A_182 = vector.broadcast %and3A_181 : i32 to vector<16xi32>
        %and3A_183 = arith.andi %bitcast3A_180, %and3A_182 : vector<16xi32>
        %gather3A = tpu.vector_load_idx %arg9[%and3A_183] : memref<1056xf32, #tpu.memory_space<vmem>>[vector<16xi32>], vector<16xf32>,
        %add3A_184 = arith.addf %scan3A_143, %gather3A : vector<16xf32>
        %shift_right_logical3A = arith.constant 16 : i32
        %shift_right_logical3A_185 = vector.broadcast %shift_right_logical3A : i32 to vector<16xi32>
        %shift_right_logical3A_186 = arith.shrui %bitcast3A_180, %shift_right_logical3A_185 : vector<16xi32>
        %gather3A_187 = tpu.vector_load_idx %arg9[%shift_right_logical3A_186] : memref<1056xf32, #tpu.memory_space<vmem>>[vector<16xi32>], vector<16xf32>,
        %add3A_188 = arith.addf %add3A_184, %gather3A_187 : vector<16xf32>
        %scan3A_189 = arith.constant 1 : i32
        %scan3A_190 = arith.addi %scan3A_142, %scan3A_189 : i32
        %mul3A_191 = arith.constant 2 : i32
        %mul3A_192 = arith.muli %mul3A_191, %scan3A_190 : i32
        %mul3A_193 = arith.constant 16 : i32
        %mul3A_194 = arith.muli %mul3A_192, %mul3A_193 : i32
        %get3A_195 = arith.index_cast %add3A_108 : i32 to index
        %get3A_196 = arith.index_cast %mul3A_194 : i32 to index
        %get3A_197 = tpu.vector_load %arg7[%get3A_195, %get3A_196] {strides = array<i32>} : memref<16x1024xi32, #tpu.memory_space<vmem>>, vector<16xi32>,
        %and3A_198 = arith.constant -65536 : i32
        %and3A_199 = vector.broadcast %and3A_198 : i32 to vector<16xi32>
        %and3A_200 = arith.andi %get3A_197, %and3A_199 : vector<16xi32>
        %bitcast3A_201 = vector.bitcast %and3A_200 : vector<16xi32> to vector<16xf32>
        %and3A_202 = arith.constant 65535 : i32
        %and3A_203 = vector.broadcast %and3A_202 : i32 to vector<16xi32>
        %and3A_204 = arith.andi %get3A_197, %and3A_203 : vector<16xi32>
        tpu.vector_store_idx %arg10[%and3A_204], %bitcast3A_201 : memref<1056xf32, #tpu.memory_space<vmem>>[vector<16xi32>], vector<16xf32>,
        %mul3A_205 = arith.constant 2 : i32
        %mul3A_206 = arith.muli %mul3A_205, %scan3A_190 : i32
        %add3A_207 = arith.constant 1 : i32
        %add3A_208 = arith.addi %mul3A_206, %add3A_207 : i32
        %mul3A_209 = arith.constant 16 : i32
        %mul3A_210 = arith.muli %add3A_208, %mul3A_209 : i32
        %get3A_211 = arith.index_cast %add3A_108 : i32 to index
        %get3A_212 = arith.index_cast %mul3A_210 : i32 to index
        %get3A_213 = tpu.vector_load %arg7[%get3A_211, %get3A_212] {strides = array<i32>} : memref<16x1024xi32, #tpu.memory_space<vmem>>, vector<16xi32>,
        %and3A_214 = arith.constant -65536 : i32
        %and3A_215 = vector.broadcast %and3A_214 : i32 to vector<16xi32>
        %and3A_216 = arith.andi %get3A_213, %and3A_215 : vector<16xi32>
        %bitcast3A_217 = vector.bitcast %and3A_216 : vector<16xi32> to vector<16xf32>
        %and3A_218 = arith.constant 65535 : i32
        %and3A_219 = vector.broadcast %and3A_218 : i32 to vector<16xi32>
        %and3A_220 = arith.andi %get3A_213, %and3A_219 : vector<16xi32>
        tpu.vector_store_idx %arg10[%and3A_220], %bitcast3A_217 : memref<1056xf32, #tpu.memory_space<vmem>>[vector<16xi32>], vector<16xf32>,
        %mul3A_221 = arith.constant 1024 : i32
        %mul3A_222 = arith.muli %sub3A_109, %mul3A_221 : i32
        %mul3A_223 = arith.constant 2 : i32
        %mul3A_224 = arith.muli %scan3A_190, %mul3A_223 : i32
        %mul3A_225 = arith.constant 16 : i32
        %mul3A_226 = arith.muli %mul3A_224, %mul3A_225 : i32
        %add3A_227 = arith.addi %mul3A_222, %mul3A_226 : i32
        %get3A_228 = arith.index_cast %add3A_227 : i32 to index
        %get3A_229 = tpu.vector_load %arg8[%get3A_228] {strides = array<i32>} : memref<16384xi16, #tpu.memory_space<vmem>>, vector<32xi16>,
        %bitcast3A_230 = vector.bitcast %get3A_229 : vector<32xi16> to vector<16xi32>
        %and3A_231 = arith.constant 65535 : i32
        %and3A_232 = vector.broadcast %and3A_231 : i32 to vector<16xi32>
        %and3A_233 = arith.andi %bitcast3A_230, %and3A_232 : vector<16xi32>
        %gather3A_234 = tpu.vector_load_idx %arg9[%and3A_233] : memref<1056xf32, #tpu.memory_space<vmem>>[vector<16xi32>], vector<16xf32>,
        %add3A_235 = arith.addf %add3A_188, %gather3A_234 : vector<16xf32>
        %shift_right_logical3A_236 = arith.constant 16 : i32
        %shift_right_logical3A_237 = vector.broadcast %shift_right_logical3A_236 : i32 to vector<16xi32>
        %shift_right_logical3A_238 = arith.shrui %bitcast3A_230, %shift_right_logical3A_237 : vector<16xi32>
        %gather3A_239 = tpu.vector_load_idx %arg9[%shift_right_logical3A_238] : memref<1056xf32, #tpu.memory_space<vmem>>[vector<16xi32>], vector<16xf32>,
        %add3A_240 = arith.addf %add3A_235, %gather3A_239 : vector<16xf32>
        scf.yield %add3A_240 : vector<16xf32>
      }
      %scan3A_121 = arith.constant 32 : i32
      %mul3A_122 = arith.constant 16 : i32
      %mul3A_123 = arith.muli %sub3A_113, %mul3A_122 : i32
      %swap3A_124 = arith.index_cast %mul3A_123 : i32 to index
      %swap3A_125 = tpu.vector_load %arg11[%swap3A_124] {strides = array<i32>} : memref<512xf32, #tpu.memory_space<vmem>>, vector<16xf32>,
      tpu.vector_store %arg11[%swap3A_124], %scan3A_120 {strides = array<i32>} : memref<512xf32, #tpu.memory_space<vmem>>, vector<16xf32>,
      %add3A_126 = arith.constant 1 : i32
      %add3A_127 = arith.addi %add3A_108, %add3A_126 : i32
      %add3A_128 = arith.constant 16 : i32
      %add3A_129 = arith.addi %add3A_128, %add3A_108 : i32
      %broadcast_in_dim3A_130 = arith.constant 0.000000e+00 : f32
      %broadcast_in_dim3A_131 = vector.broadcast %broadcast_in_dim3A_130 : f32 to vector<16xf32>
      %scan3A_132 = arith.constant 0 : i32
      %scan3A_133 = arith.constant 32 : i32
      %scan3A_134 = arith.addi %scan3A_132, %scan3A_133 : i32
      %scan3A_135 = arith.constant 2 : i32
      %scan3A_136 = scf.for %scan3A_142 = %scan3A_132 to %scan3A_134 step %scan3A_135 iter_args(%scan3A_143 = %broadcast_in_dim3A_131) -> (vector<16xf32>)  : i32 {
        %mul3A_144 = arith.constant 2 : i32
        %mul3A_145 = arith.muli %mul3A_144, %scan3A_142 : i32
        %mul3A_146 = arith.constant 16 : i32
        %mul3A_147 = arith.muli %mul3A_145, %mul3A_146 : i32
        %get3A = arith.index_cast %add3A_127 : i32 to index
        %get3A_148 = arith.index_cast %mul3A_147 : i32 to index
        %get3A_149 = tpu.vector_load %arg7[%get3A, %get3A_148] {strides = array<i32>} : memref<16x1024xi32, #tpu.memory_space<vmem>>, vector<16xi32>,
        %and3A = arith.constant -65536 : i32
        %and3A_150 = vector.broadcast %and3A : i32 to vector<16xi32>
        %and3A_151 = arith.andi %get3A_149, %and3A_150 : vector<16xi32>
        %bitcast3A = vector.bitcast %and3A_151 : vector<16xi32> to vector<16xf32>
        %and3A_152 = arith.constant 65535 : i32
        %and3A_153 = vector.broadcast %and3A_152 : i32 to vector<16xi32>
        %and3A_154 = arith.andi %get3A_149, %and3A_153 : vector<16xi32>
        tpu.vector_store_idx %arg9[%and3A_154], %bitcast3A : memref<1056xf32, #tpu.memory_space<vmem>>[vector<16xi32>], vector<16xf32>,
        %mul3A_155 = arith.constant 2 : i32
        %mul3A_156 = arith.muli %mul3A_155, %scan3A_142 : i32
        %add3A_157 = arith.constant 1 : i32
        %add3A_158 = arith.addi %mul3A_156, %add3A_157 : i32
        %mul3A_159 = arith.constant 16 : i32
        %mul3A_160 = arith.muli %add3A_158, %mul3A_159 : i32
        %get3A_161 = arith.index_cast %add3A_127 : i32 to index
        %get3A_162 = arith.index_cast %mul3A_160 : i32 to index
        %get3A_163 = tpu.vector_load %arg7[%get3A_161, %get3A_162] {strides = array<i32>} : memref<16x1024xi32, #tpu.memory_space<vmem>>, vector<16xi32>,
        %and3A_164 = arith.constant -65536 : i32
        %and3A_165 = vector.broadcast %and3A_164 : i32 to vector<16xi32>
        %and3A_166 = arith.andi %get3A_163, %and3A_165 : vector<16xi32>
        %bitcast3A_167 = vector.bitcast %and3A_166 : vector<16xi32> to vector<16xf32>
        %and3A_168 = arith.constant 65535 : i32
        %and3A_169 = vector.broadcast %and3A_168 : i32 to vector<16xi32>
        %and3A_170 = arith.andi %get3A_163, %and3A_169 : vector<16xi32>
        tpu.vector_store_idx %arg9[%and3A_170], %bitcast3A_167 : memref<1056xf32, #tpu.memory_space<vmem>>[vector<16xi32>], vector<16xf32>,
        %mul3A_171 = arith.constant 1024 : i32
        %mul3A_172 = arith.muli %add3A_108, %mul3A_171 : i32
        %mul3A_173 = arith.constant 2 : i32
        %mul3A_174 = arith.muli %scan3A_142, %mul3A_173 : i32
        %mul3A_175 = arith.constant 16 : i32
        %mul3A_176 = arith.muli %mul3A_174, %mul3A_175 : i32
        %add3A_177 = arith.addi %mul3A_172, %mul3A_176 : i32
        %get3A_178 = arith.index_cast %add3A_177 : i32 to index
        %get3A_179 = tpu.vector_load %arg8[%get3A_178] {strides = array<i32>} : memref<16384xi16, #tpu.memory_space<vmem>>, vector<32xi16>,
        %bitcast3A_180 = vector.bitcast %get3A_179 : vector<32xi16> to vector<16xi32>
        %and3A_181 = arith.constant 65535 : i32
        %and3A_182 = vector.broadcast %and3A_181 : i32 to vector<16xi32>
        %and3A_183 = arith.andi %bitcast3A_180, %and3A_182 : vector<16xi32>
        %gather3A = tpu.vector_load_idx %arg10[%and3A_183] : memref<1056xf32, #tpu.memory_space<vmem>>[vector<16xi32>], vector<16xf32>,
        %add3A_184 = arith.addf %scan3A_143, %gather3A : vector<16xf32>
        %shift_right_logical3A = arith.constant 16 : i32
        %shift_right_logical3A_185 = vector.broadcast %shift_right_logical3A : i32 to vector<16xi32>
        %shift_right_logical3A_186 = arith.shrui %bitcast3A_180, %shift_right_logical3A_185 : vector<16xi32>
        %gather3A_187 = tpu.vector_load_idx %arg10[%shift_right_logical3A_186] : memref<1056xf32, #tpu.memory_space<vmem>>[vector<16xi32>], vector<16xf32>,
        %add3A_188 = arith.addf %add3A_184, %gather3A_187 : vector<16xf32>
        %scan3A_189 = arith.constant 1 : i32
        %scan3A_190 = arith.addi %scan3A_142, %scan3A_189 : i32
        %mul3A_191 = arith.constant 2 : i32
        %mul3A_192 = arith.muli %mul3A_191, %scan3A_190 : i32
        %mul3A_193 = arith.constant 16 : i32
        %mul3A_194 = arith.muli %mul3A_192, %mul3A_193 : i32
        %get3A_195 = arith.index_cast %add3A_127 : i32 to index
        %get3A_196 = arith.index_cast %mul3A_194 : i32 to index
        %get3A_197 = tpu.vector_load %arg7[%get3A_195, %get3A_196] {strides = array<i32>} : memref<16x1024xi32, #tpu.memory_space<vmem>>, vector<16xi32>,
        %and3A_198 = arith.constant -65536 : i32
        %and3A_199 = vector.broadcast %and3A_198 : i32 to vector<16xi32>
        %and3A_200 = arith.andi %get3A_197, %and3A_199 : vector<16xi32>
        %bitcast3A_201 = vector.bitcast %and3A_200 : vector<16xi32> to vector<16xf32>
        %and3A_202 = arith.constant 65535 : i32
        %and3A_203 = vector.broadcast %and3A_202 : i32 to vector<16xi32>
        %and3A_204 = arith.andi %get3A_197, %and3A_203 : vector<16xi32>
        tpu.vector_store_idx %arg9[%and3A_204], %bitcast3A_201 : memref<1056xf32, #tpu.memory_space<vmem>>[vector<16xi32>], vector<16xf32>,
        %mul3A_205 = arith.constant 2 : i32
        %mul3A_206 = arith.muli %mul3A_205, %scan3A_190 : i32
        %add3A_207 = arith.constant 1 : i32
        %add3A_208 = arith.addi %mul3A_206, %add3A_207 : i32
        %mul3A_209 = arith.constant 16 : i32
        %mul3A_210 = arith.muli %add3A_208, %mul3A_209 : i32
        %get3A_211 = arith.index_cast %add3A_127 : i32 to index
        %get3A_212 = arith.index_cast %mul3A_210 : i32 to index
        %get3A_213 = tpu.vector_load %arg7[%get3A_211, %get3A_212] {strides = array<i32>} : memref<16x1024xi32, #tpu.memory_space<vmem>>, vector<16xi32>,
        %and3A_214 = arith.constant -65536 : i32
        %and3A_215 = vector.broadcast %and3A_214 : i32 to vector<16xi32>
        %and3A_216 = arith.andi %get3A_213, %and3A_215 : vector<16xi32>
        %bitcast3A_217 = vector.bitcast %and3A_216 : vector<16xi32> to vector<16xf32>
        %and3A_218 = arith.constant 65535 : i32
        %and3A_219 = vector.broadcast %and3A_218 : i32 to vector<16xi32>
        %and3A_220 = arith.andi %get3A_213, %and3A_219 : vector<16xi32>
        tpu.vector_store_idx %arg9[%and3A_220], %bitcast3A_217 : memref<1056xf32, #tpu.memory_space<vmem>>[vector<16xi32>], vector<16xf32>,
        %mul3A_221 = arith.constant 1024 : i32
        %mul3A_222 = arith.muli %add3A_108, %mul3A_221 : i32
        %mul3A_223 = arith.constant 2 : i32
        %mul3A_224 = arith.muli %scan3A_190, %mul3A_223 : i32
        %mul3A_225 = arith.constant 16 : i32
        %mul3A_226 = arith.muli %mul3A_224, %mul3A_225 : i32
        %add3A_227 = arith.addi %mul3A_222, %mul3A_226 : i32
        %get3A_228 = arith.index_cast %add3A_227 : i32 to index
        %get3A_229 = tpu.vector_load %arg8[%get3A_228] {strides = array<i32>} : memref<16384xi16, #tpu.memory_space<vmem>>, vector<32xi16>,
        %bitcast3A_230 = vector.bitcast %get3A_229 : vector<32xi16> to vector<16xi32>
        %and3A_231 = arith.constant 65535 : i32
        %and3A_232 = vector.broadcast %and3A_231 : i32 to vector<16xi32>
        %and3A_233 = arith.andi %bitcast3A_230, %and3A_232 : vector<16xi32>
        %gather3A_234 = tpu.vector_load_idx %arg10[%and3A_233] : memref<1056xf32, #tpu.memory_space<vmem>>[vector<16xi32>], vector<16xf32>,
        %add3A_235 = arith.addf %add3A_188, %gather3A_234 : vector<16xf32>
        %shift_right_logical3A_236 = arith.constant 16 : i32
        %shift_right_logical3A_237 = vector.broadcast %shift_right_logical3A_236 : i32 to vector<16xi32>
        %shift_right_logical3A_238 = arith.shrui %bitcast3A_230, %shift_right_logical3A_237 : vector<16xi32>
        %gather3A_239 = tpu.vector_load_idx %arg10[%shift_right_logical3A_238] : memref<1056xf32, #tpu.memory_space<vmem>>[vector<16xi32>], vector<16xf32>,
        %add3A_240 = arith.addf %add3A_235, %gather3A_239 : vector<16xf32>
        scf.yield %add3A_240 : vector<16xf32>
      }
      %scan3A_137 = arith.constant 32 : i32
      %mul3A_138 = arith.constant 16 : i32
      %mul3A_139 = arith.muli %add3A_129, %mul3A_138 : i32
      %swap3A_140 = arith.index_cast %mul3A_139 : i32 to index
      %swap3A_141 = tpu.vector_load %arg11[%swap3A_140] {strides = array<i32>} : memref<512xf32, #tpu.memory_space<vmem>>, vector<16xf32>,
      tpu.vector_store %arg11[%swap3A_140], %scan3A_136 {strides = array<i32>} : memref<512xf32, #tpu.memory_space<vmem>>, vector<16xf32>,
    }
    %scan3A_81 = arith.constant 7 : i32
    %broadcast_in_dim3A_82 = arith.constant 0.000000e+00 : f32
    %broadcast_in_dim3A_83 = vector.broadcast %broadcast_in_dim3A_82 : f32 to vector<16xf32>
    %scan3A_84 = arith.constant 0 : i32
    %scan3A_85 = arith.constant 32 : i32
    %scan3A_86 = arith.addi %scan3A_84, %scan3A_85 : i32
    %scan3A_87 = arith.constant 2 : i32
    %scan3A_88 = scf.for %scan3A_104 = %scan3A_84 to %scan3A_86 step %scan3A_87 iter_args(%scan3A_105 = %broadcast_in_dim3A_83) -> (vector<16xf32>)  : i32 {
      %mul3A_106 = arith.constant 2 : i32
      %mul3A_107 = arith.muli %mul3A_106, %scan3A_104 : i32
      %mul3A_108 = arith.constant 16 : i32
      %mul3A_109 = arith.muli %mul3A_107, %mul3A_108 : i32
      %get3A = arith.constant 15 : i32
      %get3A_110 = arith.index_cast %get3A : i32 to index
      %get3A_111 = arith.index_cast %mul3A_109 : i32 to index
      %get3A_112 = tpu.vector_load %arg7[%get3A_110, %get3A_111] {strides = array<i32>} : memref<16x1024xi32, #tpu.memory_space<vmem>>, vector<16xi32>,
      %and3A = arith.constant -65536 : i32
      %and3A_113 = vector.broadcast %and3A : i32 to vector<16xi32>
      %and3A_114 = arith.andi %get3A_112, %and3A_113 : vector<16xi32>
      %bitcast3A = vector.bitcast %and3A_114 : vector<16xi32> to vector<16xf32>
      %and3A_115 = arith.constant 65535 : i32
      %and3A_116 = vector.broadcast %and3A_115 : i32 to vector<16xi32>
      %and3A_117 = arith.andi %get3A_112, %and3A_116 : vector<16xi32>
      tpu.vector_store_idx %arg10[%and3A_117], %bitcast3A : memref<1056xf32, #tpu.memory_space<vmem>>[vector<16xi32>], vector<16xf32>,
      %mul3A_118 = arith.constant 2 : i32
      %mul3A_119 = arith.muli %mul3A_118, %scan3A_104 : i32
      %add3A_120 = arith.constant 1 : i32
      %add3A_121 = arith.addi %mul3A_119, %add3A_120 : i32
      %mul3A_122 = arith.constant 16 : i32
      %mul3A_123 = arith.muli %add3A_121, %mul3A_122 : i32
      %get3A_124 = arith.constant 15 : i32
      %get3A_125 = arith.index_cast %get3A_124 : i32 to index
      %get3A_126 = arith.index_cast %mul3A_123 : i32 to index
      %get3A_127 = tpu.vector_load %arg7[%get3A_125, %get3A_126] {strides = array<i32>} : memref<16x1024xi32, #tpu.memory_space<vmem>>, vector<16xi32>,
      %and3A_128 = arith.constant -65536 : i32
      %and3A_129 = vector.broadcast %and3A_128 : i32 to vector<16xi32>
      %and3A_130 = arith.andi %get3A_127, %and3A_129 : vector<16xi32>
      %bitcast3A_131 = vector.bitcast %and3A_130 : vector<16xi32> to vector<16xf32>
      %and3A_132 = arith.constant 65535 : i32
      %and3A_133 = vector.broadcast %and3A_132 : i32 to vector<16xi32>
      %and3A_134 = arith.andi %get3A_127, %and3A_133 : vector<16xi32>
      tpu.vector_store_idx %arg10[%and3A_134], %bitcast3A_131 : memref<1056xf32, #tpu.memory_space<vmem>>[vector<16xi32>], vector<16xf32>,
      %mul3A_135 = arith.constant 2 : i32
      %mul3A_136 = arith.muli %scan3A_104, %mul3A_135 : i32
      %mul3A_137 = arith.constant 16 : i32
      %mul3A_138 = arith.muli %mul3A_136, %mul3A_137 : i32
      %add3A_139 = arith.constant 14336 : i32
      %add3A_140 = arith.addi %add3A_139, %mul3A_138 : i32
      %get3A_141 = arith.index_cast %add3A_140 : i32 to index
      %get3A_142 = tpu.vector_load %arg8[%get3A_141] {strides = array<i32>} : memref<16384xi16, #tpu.memory_space<vmem>>, vector<32xi16>,
      %bitcast3A_143 = vector.bitcast %get3A_142 : vector<32xi16> to vector<16xi32>
      %and3A_144 = arith.constant 65535 : i32
      %and3A_145 = vector.broadcast %and3A_144 : i32 to vector<16xi32>
      %and3A_146 = arith.andi %bitcast3A_143, %and3A_145 : vector<16xi32>
      %gather3A = tpu.vector_load_idx %arg9[%and3A_146] : memref<1056xf32, #tpu.memory_space<vmem>>[vector<16xi32>], vector<16xf32>,
      %add3A_147 = arith.addf %scan3A_105, %gather3A : vector<16xf32>
      %shift_right_logical3A = arith.constant 16 : i32
      %shift_right_logical3A_148 = vector.broadcast %shift_right_logical3A : i32 to vector<16xi32>
      %shift_right_logical3A_149 = arith.shrui %bitcast3A_143, %shift_right_logical3A_148 : vector<16xi32>
      %gather3A_150 = tpu.vector_load_idx %arg9[%shift_right_logical3A_149] : memref<1056xf32, #tpu.memory_space<vmem>>[vector<16xi32>], vector<16xf32>,
      %add3A_151 = arith.addf %add3A_147, %gather3A_150 : vector<16xf32>
      %scan3A_152 = arith.constant 1 : i32
      %scan3A_153 = arith.addi %scan3A_104, %scan3A_152 : i32
      %mul3A_154 = arith.constant 2 : i32
      %mul3A_155 = arith.muli %mul3A_154, %scan3A_153 : i32
      %mul3A_156 = arith.constant 16 : i32
      %mul3A_157 = arith.muli %mul3A_155, %mul3A_156 : i32
      %get3A_158 = arith.constant 15 : i32
      %get3A_159 = arith.index_cast %get3A_158 : i32 to index
      %get3A_160 = arith.index_cast %mul3A_157 : i32 to index
      %get3A_161 = tpu.vector_load %arg7[%get3A_159, %get3A_160] {strides = array<i32>} : memref<16x1024xi32, #tpu.memory_space<vmem>>, vector<16xi32>,
      %and3A_162 = arith.constant -65536 : i32
      %and3A_163 = vector.broadcast %and3A_162 : i32 to vector<16xi32>
      %and3A_164 = arith.andi %get3A_161, %and3A_163 : vector<16xi32>
      %bitcast3A_165 = vector.bitcast %and3A_164 : vector<16xi32> to vector<16xf32>
      %and3A_166 = arith.constant 65535 : i32
      %and3A_167 = vector.broadcast %and3A_166 : i32 to vector<16xi32>
      %and3A_168 = arith.andi %get3A_161, %and3A_167 : vector<16xi32>
      tpu.vector_store_idx %arg10[%and3A_168], %bitcast3A_165 : memref<1056xf32, #tpu.memory_space<vmem>>[vector<16xi32>], vector<16xf32>,
      %mul3A_169 = arith.constant 2 : i32
      %mul3A_170 = arith.muli %mul3A_169, %scan3A_153 : i32
      %add3A_171 = arith.constant 1 : i32
      %add3A_172 = arith.addi %mul3A_170, %add3A_171 : i32
      %mul3A_173 = arith.constant 16 : i32
      %mul3A_174 = arith.muli %add3A_172, %mul3A_173 : i32
      %get3A_175 = arith.constant 15 : i32
      %get3A_176 = arith.index_cast %get3A_175 : i32 to index
      %get3A_177 = arith.index_cast %mul3A_174 : i32 to index
      %get3A_178 = tpu.vector_load %arg7[%get3A_176, %get3A_177] {strides = array<i32>} : memref<16x1024xi32, #tpu.memory_space<vmem>>, vector<16xi32>,
      %and3A_179 = arith.constant -65536 : i32
      %and3A_180 = vector.broadcast %and3A_179 : i32 to vector<16xi32>
      %and3A_181 = arith.andi %get3A_178, %and3A_180 : vector<16xi32>
      %bitcast3A_182 = vector.bitcast %and3A_181 : vector<16xi32> to vector<16xf32>
      %and3A_183 = arith.constant 65535 : i32
      %and3A_184 = vector.broadcast %and3A_183 : i32 to vector<16xi32>
      %and3A_185 = arith.andi %get3A_178, %and3A_184 : vector<16xi32>
      tpu.vector_store_idx %arg10[%and3A_185], %bitcast3A_182 : memref<1056xf32, #tpu.memory_space<vmem>>[vector<16xi32>], vector<16xf32>,
      %mul3A_186 = arith.constant 2 : i32
      %mul3A_187 = arith.muli %scan3A_153, %mul3A_186 : i32
      %mul3A_188 = arith.constant 16 : i32
      %mul3A_189 = arith.muli %mul3A_187, %mul3A_188 : i32
      %add3A_190 = arith.constant 14336 : i32
      %add3A_191 = arith.addi %add3A_190, %mul3A_189 : i32
      %get3A_192 = arith.index_cast %add3A_191 : i32 to index
      %get3A_193 = tpu.vector_load %arg8[%get3A_192] {strides = array<i32>} : memref<16384xi16, #tpu.memory_space<vmem>>, vector<32xi16>,
      %bitcast3A_194 = vector.bitcast %get3A_193 : vector<32xi16> to vector<16xi32>
      %and3A_195 = arith.constant 65535 : i32
      %and3A_196 = vector.broadcast %and3A_195 : i32 to vector<16xi32>
      %and3A_197 = arith.andi %bitcast3A_194, %and3A_196 : vector<16xi32>
      %gather3A_198 = tpu.vector_load_idx %arg9[%and3A_197] : memref<1056xf32, #tpu.memory_space<vmem>>[vector<16xi32>], vector<16xf32>,
      %add3A_199 = arith.addf %add3A_151, %gather3A_198 : vector<16xf32>
      %shift_right_logical3A_200 = arith.constant 16 : i32
      %shift_right_logical3A_201 = vector.broadcast %shift_right_logical3A_200 : i32 to vector<16xi32>
      %shift_right_logical3A_202 = arith.shrui %bitcast3A_194, %shift_right_logical3A_201 : vector<16xi32>
      %gather3A_203 = tpu.vector_load_idx %arg9[%shift_right_logical3A_202] : memref<1056xf32, #tpu.memory_space<vmem>>[vector<16xi32>], vector<16xf32>,
      %add3A_204 = arith.addf %add3A_199, %gather3A_203 : vector<16xf32>
      scf.yield %add3A_204 : vector<16xf32>
    }
    %scan3A_89 = arith.constant 32 : i32
    %swap3A_90 = arith.constant 480 : index
    %swap3A_91 = tpu.vector_load %arg11[%swap3A_90] {strides = array<i32>} : memref<512xf32, #tpu.memory_space<vmem>>, vector<16xf32>,
    tpu.vector_store %arg11[%swap3A_90], %scan3A_88 {strides = array<i32>} : memref<512xf32, #tpu.memory_space<vmem>>, vector<16xf32>,
    %broadcast_in_dim3A_92 = arith.constant 0.000000e+00 : f32
    %broadcast_in_dim3A_93 = vector.broadcast %broadcast_in_dim3A_92 : f32 to vector<16xf32>
    %scan3A_94 = arith.constant 0 : i32
    %scan3A_95 = arith.constant 32 : i32
    %scan3A_96 = arith.addi %scan3A_94, %scan3A_95 : i32
    %scan3A_97 = arith.constant 4 : i32
    %scan3A_98 = scf.for %scan3A_104 = %scan3A_94 to %scan3A_96 step %scan3A_97 iter_args(%scan3A_105 = %broadcast_in_dim3A_93) -> (vector<16xf32>)  : i32 {
      %mul3A_106 = arith.constant 2 : i32
      %mul3A_107 = arith.muli %scan3A_104, %mul3A_106 : i32
      %mul3A_108 = arith.constant 16 : i32
      %mul3A_109 = arith.muli %mul3A_107, %mul3A_108 : i32
      %add3A_110 = arith.constant 15360 : i32
      %add3A_111 = arith.addi %add3A_110, %mul3A_109 : i32
      %get3A = arith.index_cast %add3A_111 : i32 to index
      %get3A_112 = tpu.vector_load %arg8[%get3A] {strides = array<i32>} : memref<16384xi16, #tpu.memory_space<vmem>>, vector<32xi16>,
      %bitcast3A = vector.bitcast %get3A_112 : vector<32xi16> to vector<16xi32>
      %and3A = arith.constant 65535 : i32
      %and3A_113 = vector.broadcast %and3A : i32 to vector<16xi32>
      %and3A_114 = arith.andi %bitcast3A, %and3A_113 : vector<16xi32>
      %gather3A = tpu.vector_load_idx %arg10[%and3A_114] : memref<1056xf32, #tpu.memory_space<vmem>>[vector<16xi32>], vector<16xf32>,
      %add3A_115 = arith.addf %scan3A_105, %gather3A : vector<16xf32>
      %shift_right_logical3A = arith.constant 16 : i32
      %shift_right_logical3A_116 = vector.broadcast %shift_right_logical3A : i32 to vector<16xi32>
      %shift_right_logical3A_117 = arith.shrui %bitcast3A, %shift_right_logical3A_116 : vector<16xi32>
      %gather3A_118 = tpu.vector_load_idx %arg10[%shift_right_logical3A_117] : memref<1056xf32, #tpu.memory_space<vmem>>[vector<16xi32>], vector<16xf32>,
      %add3A_119 = arith.addf %add3A_115, %gather3A_118 : vector<16xf32>
      %scan3A_120 = arith.constant 1 : i32
      %scan3A_121 = arith.addi %scan3A_104, %scan3A_120 : i32
      %mul3A_122 = arith.constant 2 : i32
      %mul3A_123 = arith.muli %scan3A_121, %mul3A_122 : i32
      %mul3A_124 = arith.constant 16 : i32
      %mul3A_125 = arith.muli %mul3A_123, %mul3A_124 : i32
      %add3A_126 = arith.constant 15360 : i32
      %add3A_127 = arith.addi %add3A_126, %mul3A_125 : i32
      %get3A_128 = arith.index_cast %add3A_127 : i32 to index
      %get3A_129 = tpu.vector_load %arg8[%get3A_128] {strides = array<i32>} : memref<16384xi16, #tpu.memory_space<vmem>>, vector<32xi16>,
      %bitcast3A_130 = vector.bitcast %get3A_129 : vector<32xi16> to vector<16xi32>
      %and3A_131 = arith.constant 65535 : i32
      %and3A_132 = vector.broadcast %and3A_131 : i32 to vector<16xi32>
      %and3A_133 = arith.andi %bitcast3A_130, %and3A_132 : vector<16xi32>
      %gather3A_134 = tpu.vector_load_idx %arg10[%and3A_133] : memref<1056xf32, #tpu.memory_space<vmem>>[vector<16xi32>], vector<16xf32>,
      %add3A_135 = arith.addf %add3A_119, %gather3A_134 : vector<16xf32>
      %shift_right_logical3A_136 = arith.constant 16 : i32
      %shift_right_logical3A_137 = vector.broadcast %shift_right_logical3A_136 : i32 to vector<16xi32>
      %shift_right_logical3A_138 = arith.shrui %bitcast3A_130, %shift_right_logical3A_137 : vector<16xi32>
      %gather3A_139 = tpu.vector_load_idx %arg10[%shift_right_logical3A_138] : memref<1056xf32, #tpu.memory_space<vmem>>[vector<16xi32>], vector<16xf32>,
      %add3A_140 = arith.addf %add3A_135, %gather3A_139 : vector<16xf32>
      %scan3A_141 = arith.constant 2 : i32
      %scan3A_142 = arith.addi %scan3A_104, %scan3A_141 : i32
      %mul3A_143 = arith.constant 2 : i32
      %mul3A_144 = arith.muli %scan3A_142, %mul3A_143 : i32
      %mul3A_145 = arith.constant 16 : i32
      %mul3A_146 = arith.muli %mul3A_144, %mul3A_145 : i32
      %add3A_147 = arith.constant 15360 : i32
      %add3A_148 = arith.addi %add3A_147, %mul3A_146 : i32
      %get3A_149 = arith.index_cast %add3A_148 : i32 to index
      %get3A_150 = tpu.vector_load %arg8[%get3A_149] {strides = array<i32>} : memref<16384xi16, #tpu.memory_space<vmem>>, vector<32xi16>,
      %bitcast3A_151 = vector.bitcast %get3A_150 : vector<32xi16> to vector<16xi32>
      %and3A_152 = arith.constant 65535 : i32
      %and3A_153 = vector.broadcast %and3A_152 : i32 to vector<16xi32>
      %and3A_154 = arith.andi %bitcast3A_151, %and3A_153 : vector<16xi32>
      %gather3A_155 = tpu.vector_load_idx %arg10[%and3A_154] : memref<1056xf32, #tpu.memory_space<vmem>>[vector<16xi32>], vector<16xf32>,
      %add3A_156 = arith.addf %add3A_140, %gather3A_155 : vector<16xf32>
      %shift_right_logical3A_157 = arith.constant 16 : i32
      %shift_right_logical3A_158 = vector.broadcast %shift_right_logical3A_157 : i32 to vector<16xi32>
      %shift_right_logical3A_159 = arith.shrui %bitcast3A_151, %shift_right_logical3A_158 : vector<16xi32>
      %gather3A_160 = tpu.vector_load_idx %arg10[%shift_right_logical3A_159] : memref<1056xf32, #tpu.memory_space<vmem>>[vector<16xi32>], vector<16xf32>,
      %add3A_161 = arith.addf %add3A_156, %gather3A_160 : vector<16xf32>
      %scan3A_162 = arith.constant 3 : i32
      %scan3A_163 = arith.addi %scan3A_104, %scan3A_162 : i32
      %mul3A_164 = arith.constant 2 : i32
      %mul3A_165 = arith.muli %scan3A_163, %mul3A_164 : i32
      %mul3A_166 = arith.constant 16 : i32
      %mul3A_167 = arith.muli %mul3A_165, %mul3A_166 : i32
      %add3A_168 = arith.constant 15360 : i32
      %add3A_169 = arith.addi %add3A_168, %mul3A_167 : i32
      %get3A_170 = arith.index_cast %add3A_169 : i32 to index
      %get3A_171 = tpu.vector_load %arg8[%get3A_170] {strides = array<i32>} : memref<16384xi16, #tpu.memory_space<vmem>>, vector<32xi16>,
      %bitcast3A_172 = vector.bitcast %get3A_171 : vector<32xi16> to vector<16xi32>
      %and3A_173 = arith.constant 65535 : i32
      %and3A_174 = vector.broadcast %and3A_173 : i32 to vector<16xi32>
      %and3A_175 = arith.andi %bitcast3A_172, %and3A_174 : vector<16xi32>
      %gather3A_176 = tpu.vector_load_idx %arg10[%and3A_175] : memref<1056xf32, #tpu.memory_space<vmem>>[vector<16xi32>], vector<16xf32>,
      %add3A_177 = arith.addf %add3A_161, %gather3A_176 : vector<16xf32>
      %shift_right_logical3A_178 = arith.constant 16 : i32
      %shift_right_logical3A_179 = vector.broadcast %shift_right_logical3A_178 : i32 to vector<16xi32>
      %shift_right_logical3A_180 = arith.shrui %bitcast3A_172, %shift_right_logical3A_179 : vector<16xi32>
      %gather3A_181 = tpu.vector_load_idx %arg10[%shift_right_logical3A_180] : memref<1056xf32, #tpu.memory_space<vmem>>[vector<16xi32>], vector<16xf32>,
      %add3A_182 = arith.addf %add3A_177, %gather3A_181 : vector<16xf32>
      scf.yield %add3A_182 : vector<16xf32>
    }
    %scan3A_99 = arith.constant 32 : i32
    %swap3A_100 = arith.constant 496 : index
    %swap3A_101 = tpu.vector_load %arg11[%swap3A_100] {strides = array<i32>} : memref<512xf32, #tpu.memory_space<vmem>>, vector<16xf32>,
    tpu.vector_store %arg11[%swap3A_100], %scan3A_98 {strides = array<i32>} : memref<512xf32, #tpu.memory_space<vmem>>, vector<16xf32>,
    %mul3A_102 = arith.constant 16 : i32
    %mul3A_103 = arith.muli %mul3A_2, %mul3A_102 : i32
    "tpu.region"() ({
      %run_scoped3A = tpu.sem_alloc : memref<!tpu.dma_semaphore, #tpu.memory_space<semaphore_mem>>
      %dma_start3A_104 = tpu.memref_slice %arg4[%mul3A_103] : memref<16384xf32, #tpu.memory_space<hbm>> -> memref<512xf32, #tpu.memory_space<hbm>>
      %dma_start3A_105 = tpu.memref_slice %arg4[%mul3A_103] : memref<16384xf32, #tpu.memory_space<hbm>> -> memref<512xf32, #tpu.memory_space<hbm>>
      tpu.enqueue_dma source(%arg11 : memref<512xf32, #tpu.memory_space<vmem>>) target(%dma_start3A_105 : memref<512xf32, #tpu.memory_space<hbm>>) target_semaphore(%run_scoped3A : memref<!tpu.dma_semaphore, #tpu.memory_space<semaphore_mem>>)
      %dma_wait3A_106 = tpu.memref_slice %arg4[%mul3A_103] : memref<16384xf32, #tpu.memory_space<hbm>> -> memref<512xf32, #tpu.memory_space<hbm>>
      %dma_wait3A_107 = tpu.memref_slice %arg4[%mul3A_103] : memref<16384xf32, #tpu.memory_space<hbm>> -> memref<512xf32, #tpu.memory_space<hbm>>
      tpu.wait_dma2 semaphore(%run_scoped3A : memref<!tpu.dma_semaphore, #tpu.memory_space<semaphore_mem>>) src(%arg11 : memref<512xf32, #tpu.memory_space<vmem>>) dst(%dma_wait3A_107 : memref<512xf32, #tpu.memory_space<hbm>>)
      tpu.yield
    }) : () -> ()
    return
  }
}

module attributes {stable_mosaic.version = 14 : i64} {
  func.func @_tc_prep_body(%arg0: i32, %arg1: memref<256x64xf32, #tpu.memory_space<vmem>>, %arg2: memref<256x64xf32, #tpu.memory_space<vmem>>, %arg3: memref<1024x64xf32, #tpu.memory_space<vmem>>, %arg4: memref<256x1024xi32, #tpu.memory_space<vmem>>, %arg5: memref<256x1024xi32, #tpu.memory_space<vmem>>, %arg6: memref<256x1024xi32, #tpu.memory_space<vmem>>, %arg7: memref<256x1024xi16, #tpu.memory_space<vmem>>, %arg8: memref<256x1xf32, #tpu.memory_space<vmem>>, %arg9: memref<256x1xf32, #tpu.memory_space<vmem>>, %arg10: memref<256x1xf32, #tpu.memory_space<vmem>>) attributes {dimension_semantics = [#tpu.dimension_semantics<arbitrary>], iteration_bounds = array<i64: 4>, scalar_prefetch = 0 : i64, scratch_operands = 0 : i64, tpu.core_type = #tpu.core_type<tc>, window_params = [{transform_indices = @transform_0, window_bounds = array<i64: 256, 64>}, {transform_indices = @transform_1, window_bounds = array<i64: 256, 64>}, {pipeline_mode = #tpu.pipeline_mode<synchronous>, transform_indices = @transform_2, window_bounds = array<i64: 1024, 64>}, {transform_indices = @transform_3, window_bounds = array<i64: 256, 1024>}, {transform_indices = @transform_4, window_bounds = array<i64: 256, 1024>}, {transform_indices = @transform_5, window_bounds = array<i64: 256, 1024>}, {transform_indices = @transform_6, window_bounds = array<i64: 256, 1024>}, {transform_indices = @transform_7, window_bounds = array<i64: 256, 1>}, {transform_indices = @transform_8, window_bounds = array<i64: 256, 1>}, {transform_indices = @transform_9, window_bounds = array<i64: 256, 1>}]} {
    %get3A = arith.constant 0 : index
    %get3A_0 = arith.constant 0 : index
    %get3A_1 = vector.load %arg1[%get3A, %get3A_0] : memref<256x64xf32, #tpu.memory_space<vmem>>, vector<256x64xf32>
    %get3A_2 = arith.constant 0 : index
    %get3A_3 = arith.constant 0 : index
    %get3A_4 = vector.load %arg2[%get3A_2, %get3A_3] : memref<256x64xf32, #tpu.memory_space<vmem>>, vector<256x64xf32>
    %get3A_5 = arith.constant 0 : index
    %get3A_6 = arith.constant 0 : index
    %get3A_7 = vector.load %arg3[%get3A_5, %get3A_6] : memref<1024x64xf32, #tpu.memory_space<vmem>>, vector<1024x64xf32>
    %mul3A = arith.mulf %get3A_1, %get3A_1 : vector<256x64xf32>
    %reduce_sum3A = arith.constant dense<0.000000e+00> : vector<256xf32>
    %reduce_sum3A_8 = vector.multi_reduction <add>, %mul3A, %reduce_sum3A [1] : vector<256x64xf32> to vector<256xf32>
    %broadcast_in_dim3A = vector.shape_cast %reduce_sum3A_8 : vector<256xf32> to vector<256x1xf32>
    %add3A = arith.constant 9.99999996E-13 : f32
    %add3A_9 = vector.broadcast %add3A : f32 to vector<256x1xf32>
    %add3A_10 = arith.addf %broadcast_in_dim3A, %add3A_9 : vector<256x1xf32>
    %rsqrt3A = math.rsqrt %add3A_10 : vector<256x1xf32>
    %mul3A_11 = vector.broadcast %rsqrt3A : vector<256x1xf32> to vector<256x64xf32>
    %mul3A_12 = arith.mulf %get3A_1, %mul3A_11 : vector<256x64xf32>
    %mul3A_13 = arith.mulf %get3A_4, %get3A_4 : vector<256x64xf32>
    %reduce_sum3A_14 = arith.constant dense<0.000000e+00> : vector<256xf32>
    %reduce_sum3A_15 = vector.multi_reduction <add>, %mul3A_13, %reduce_sum3A_14 [1] : vector<256x64xf32> to vector<256xf32>
    %broadcast_in_dim3A_16 = vector.shape_cast %reduce_sum3A_15 : vector<256xf32> to vector<256x1xf32>
    %add3A_17 = arith.constant 9.99999996E-13 : f32
    %add3A_18 = vector.broadcast %add3A_17 : f32 to vector<256x1xf32>
    %add3A_19 = arith.addf %broadcast_in_dim3A_16, %add3A_18 : vector<256x1xf32>
    %rsqrt3A_20 = math.rsqrt %add3A_19 : vector<256x1xf32>
    %mul3A_21 = vector.broadcast %rsqrt3A_20 : vector<256x1xf32> to vector<256x64xf32>
    %mul3A_22 = arith.mulf %get3A_4, %mul3A_21 : vector<256x64xf32>
    %mul3A_23 = arith.mulf %get3A_7, %get3A_7 : vector<1024x64xf32>
    %reduce_sum3A_24 = arith.constant dense<0.000000e+00> : vector<1024xf32>
    %reduce_sum3A_25 = vector.multi_reduction <add>, %mul3A_23, %reduce_sum3A_24 [1] : vector<1024x64xf32> to vector<1024xf32>
    %broadcast_in_dim3A_26 = vector.shape_cast %reduce_sum3A_25 : vector<1024xf32> to vector<1024x1xf32>
    %add3A_27 = arith.constant 9.99999996E-13 : f32
    %add3A_28 = vector.broadcast %add3A_27 : f32 to vector<1024x1xf32>
    %add3A_29 = arith.addf %broadcast_in_dim3A_26, %add3A_28 : vector<1024x1xf32>
    %rsqrt3A_30 = math.rsqrt %add3A_29 : vector<1024x1xf32>
    %mul3A_31 = vector.broadcast %rsqrt3A_30 : vector<1024x1xf32> to vector<1024x64xf32>
    %mul3A_32 = arith.mulf %get3A_7, %mul3A_31 : vector<1024x64xf32>
    %mul3A_33 = arith.mulf %mul3A_12, %mul3A_22 : vector<256x64xf32>
    %reduce_sum3A_34 = arith.constant dense<0.000000e+00> : vector<256xf32>
    %reduce_sum3A_35 = vector.multi_reduction <add>, %mul3A_33, %reduce_sum3A_34 [1] : vector<256x64xf32> to vector<256xf32>
    %broadcast_in_dim3A_36 = vector.shape_cast %reduce_sum3A_35 : vector<256xf32> to vector<256x1xf32>
    %div3A = arith.constant 1.000000e-01 : f32
    %div3A_37 = vector.broadcast %div3A : f32 to vector<256x1xf32>
    %div3A_38 = arith.divf %broadcast_in_dim3A_36, %div3A_37 : vector<256x1xf32>
    %dot_general3A = arith.constant dense<0.000000e+00> : vector<256x1024xf32>
    %dot_general3A_39 = tpu.matmul %mul3A_12, %mul3A_32, %dot_general3A {dimension_numbers = #tpu.dot_dimension_numbers<[1], [1], [0], [0], [0, 0, 1, 0], [], []>, precision = #tpu.contract_precision<fp32>, transpose_lhs_hint = false} : vector<256x64xf32>, vector<1024x64xf32>, vector<256x1024xf32> -> vector<256x1024xf32>
    %div3A_40 = arith.constant 1.000000e-01 : f32
    %div3A_41 = vector.broadcast %div3A_40 : f32 to vector<256x1024xf32>
    %div3A_42 = arith.divf %dot_general3A_39, %div3A_41 : vector<256x1024xf32>
    %get3A_43 = arith.constant 0 : index
    %get3A_44 = arith.constant 0 : index
    %get3A_45 = vector.load %arg4[%get3A_43, %get3A_44] : memref<256x1024xi32, #tpu.memory_space<vmem>>, vector<256x1024xi32>
    %reduce_sum3A_46 = arith.constant dense<0> : vector<256xi32>
    %reduce_sum3A_47 = vector.multi_reduction <add>, %get3A_45, %reduce_sum3A_46 [1] : vector<256x1024xi32> to vector<256xi32>
    %broadcast_in_dim3A_48 = vector.shape_cast %reduce_sum3A_47 : vector<256xi32> to vector<256x1xi32>
    %eq3A = arith.constant 0 : i32
    %eq3A_49 = vector.broadcast %eq3A : i32 to vector<256x1xi32>
    %eq3A_50 = arith.cmpi eq, %broadcast_in_dim3A_48, %eq3A_49 : vector<256x1xi32>
    %jit3A = arith.constant 1 : i32
    %broadcast_in_dim3A_51 = vector.shape_cast %eq3A_50 : vector<256x1xi1> to vector<256x1xi1>
    %broadcast_in_dim3A_52 = vector.broadcast %broadcast_in_dim3A_51 : vector<256x1xi1> to vector<256x1024xi1>
    %broadcast_in_dim3A_53 = vector.broadcast %jit3A : i32 to vector<256x1024xi32>
    %select_n3A = arith.select %broadcast_in_dim3A_52, %broadcast_in_dim3A_53, %get3A_45 : vector<256x1024xi1>, vector<256x1024xi32>
    %jit3A_54 = arith.constant 1024 : i32
    %broadcast_in_dim3A_55 = vector.broadcast %jit3A_54 : i32 to vector<256x1xi32>
    %select_n3A_56 = arith.select %eq3A_50, %broadcast_in_dim3A_55, %broadcast_in_dim3A_48 : vector<256x1xi1>, vector<256x1xi32>
    %gt3A = arith.constant 0 : i32
    %gt3A_57 = vector.broadcast %gt3A : i32 to vector<256x1024xi32>
    %gt3A_58 = arith.cmpi sgt, %select_n3A, %gt3A_57 : vector<256x1024xi32>
    %convert_element_type3A = arith.sitofp %select_n3A : vector<256x1024xi32> to vector<256x1024xf32>
    %iota3A = tpu.iota {dimensions = array<i32: 0>} : vector<1024x1024xi32>
    %iota3A_59 = tpu.iota {dimensions = array<i32: 1>} : vector<1024x1024xi32>
    %lt3A = arith.cmpi slt, %iota3A, %iota3A_59 : vector<1024x1024xi32>
    %convert_element_type3A_60 = arith.extui %lt3A : vector<1024x1024xi1> to vector<1024x1024xi32>
    %convert_element_type3A_61 = arith.sitofp %convert_element_type3A_60 : vector<1024x1024xi32> to vector<1024x1024xf32>
    %dot_general3A_62 = arith.constant dense<0.000000e+00> : vector<256x1024xf32>
    %dot_general3A_63 = tpu.matmul %convert_element_type3A, %convert_element_type3A_61, %dot_general3A_62 {dimension_numbers = #tpu.dot_dimension_numbers<[1], [0], [0], [1], [0, 0, 1, 1], [], []>, transpose_lhs_hint = false} : vector<256x1024xf32>, vector<1024x1024xf32>, vector<256x1024xf32> -> vector<256x1024xf32>
    %convert_element_type3A_64 = arith.fptosi %dot_general3A_63 : vector<256x1024xf32> to vector<256x1024xi32>
    %jit3A_65 = arith.constant 0xFF800000 : f32
    %broadcast_in_dim3A_66 = vector.broadcast %jit3A_65 : f32 to vector<256x1024xf32>
    %select_n3A_67 = arith.select %gt3A_58, %div3A_42, %broadcast_in_dim3A_66 : vector<256x1024xi1>, vector<256x1024xf32>
    %reduce_max3A = arith.constant dense<0xFF800000> : vector<256xf32>
    %reduce_max3A_68 = vector.multi_reduction <maximumf>, %select_n3A_67, %reduce_max3A [1] : vector<256x1024xf32> to vector<256xf32>
    %broadcast_in_dim3A_69 = vector.shape_cast %reduce_max3A_68 : vector<256xf32> to vector<256x1xf32>
    %max3A = arith.maximumf %broadcast_in_dim3A_69, %div3A_38 : vector<256x1xf32>
    %sub3A = vector.broadcast %max3A : vector<256x1xf32> to vector<256x1024xf32>
    %sub3A_70 = arith.subf %div3A_42, %sub3A : vector<256x1024xf32>
    %exp3A = math.exp %sub3A_70 : vector<256x1024xf32>
    %jit3A_71 = arith.constant 0.000000e+00 : f32
    %broadcast_in_dim3A_72 = vector.broadcast %jit3A_71 : f32 to vector<256x1024xf32>
    %select_n3A_73 = arith.select %gt3A_58, %exp3A, %broadcast_in_dim3A_72 : vector<256x1024xi1>, vector<256x1024xf32>
    %reduce_sum3A_74 = arith.constant dense<0.000000e+00> : vector<256xf32>
    %reduce_sum3A_75 = vector.multi_reduction <add>, %select_n3A_73, %reduce_sum3A_74 [1] : vector<256x1024xf32> to vector<256xf32>
    %broadcast_in_dim3A_76 = vector.shape_cast %reduce_sum3A_75 : vector<256xf32> to vector<256x1xf32>
    %sub3A_77 = arith.subf %div3A_38, %max3A : vector<256x1xf32>
    %exp3A_78 = math.exp %sub3A_77 : vector<256x1xf32>
    %add3A_79 = arith.addf %broadcast_in_dim3A_76, %exp3A_78 : vector<256x1xf32>
    %swap3A = arith.constant 0 : index
    %swap3A_80 = arith.constant 0 : index
    %swap3A_81 = vector.load %arg8[%swap3A, %swap3A_80] : memref<256x1xf32, #tpu.memory_space<vmem>>, vector<256x1xf32>
    tpu.vector_store %arg8[%swap3A, %swap3A_80], %add3A_79 {strides = array<i32>} : memref<256x1xf32, #tpu.memory_space<vmem>>, vector<256x1xf32>,
    %swap3A_82 = arith.constant 0 : index
    %swap3A_83 = arith.constant 0 : index
    %swap3A_84 = vector.load %arg9[%swap3A_82, %swap3A_83] : memref<256x1xf32, #tpu.memory_space<vmem>>, vector<256x1xf32>
    tpu.vector_store %arg9[%swap3A_82, %swap3A_83], %max3A {strides = array<i32>} : memref<256x1xf32, #tpu.memory_space<vmem>>, vector<256x1xf32>,
    %swap3A_85 = arith.constant 0 : index
    %swap3A_86 = arith.constant 0 : index
    %swap3A_87 = vector.load %arg10[%swap3A_85, %swap3A_86] : memref<256x1xf32, #tpu.memory_space<vmem>>, vector<256x1xf32>
    tpu.vector_store %arg10[%swap3A_85, %swap3A_86], %div3A_38 {strides = array<i32>} : memref<256x1xf32, #tpu.memory_space<vmem>>, vector<256x1xf32>,
    %get3A_88 = arith.constant 0 : index
    %get3A_89 = arith.constant 0 : index
    %get3A_90 = vector.load %arg5[%get3A_88, %get3A_89] : memref<256x1024xi32, #tpu.memory_space<vmem>>, vector<256x1024xi32>
    %convert_element_type3A_91 = arith.sitofp %select_n3A_56 : vector<256x1xi32> to vector<256x1xf32>
    %div3A_92 = arith.constant 1.000000e+00 : f32
    %div3A_93 = vector.broadcast %div3A_92 : f32 to vector<256x1xf32>
    %div3A_94 = arith.divf %div3A_93, %convert_element_type3A_91 : vector<256x1xf32>
    %convert_element_type3A_95 = arith.sitofp %get3A_90 : vector<256x1024xi32> to vector<256x1024xf32>
    %mul3A_96 = vector.broadcast %div3A_94 : vector<256x1xf32> to vector<256x1024xf32>
    %mul3A_97 = arith.mulf %convert_element_type3A_95, %mul3A_96 : vector<256x1024xf32>
    %floor3A = math.floor %mul3A_97 : vector<256x1024xf32>
    %convert_element_type3A_98 = arith.fptosi %floor3A : vector<256x1024xf32> to vector<256x1024xi32>
    %mul3A_99 = vector.broadcast %select_n3A_56 : vector<256x1xi32> to vector<256x1024xi32>
    %mul3A_100 = arith.muli %convert_element_type3A_98, %mul3A_99 : vector<256x1024xi32>
    %sub3A_101 = arith.subi %get3A_90, %mul3A_100 : vector<256x1024xi32>
    %lt3A_102 = arith.constant 0 : i32
    %lt3A_103 = vector.broadcast %lt3A_102 : i32 to vector<256x1024xi32>
    %lt3A_104 = arith.cmpi slt, %sub3A_101, %lt3A_103 : vector<256x1024xi32>
    %add3A_105 = vector.broadcast %select_n3A_56 : vector<256x1xi32> to vector<256x1024xi32>
    %add3A_106 = arith.addi %sub3A_101, %add3A_105 : vector<256x1024xi32>
    %select_n3A_107 = arith.select %lt3A_104, %add3A_106, %sub3A_101 : vector<256x1024xi1>, vector<256x1024xi32>
    %ge3A = vector.broadcast %select_n3A_56 : vector<256x1xi32> to vector<256x1024xi32>
    %ge3A_108 = arith.cmpi sge, %select_n3A_107, %ge3A : vector<256x1024xi32>
    %sub3A_109 = vector.broadcast %select_n3A_56 : vector<256x1xi32> to vector<256x1024xi32>
    %sub3A_110 = arith.subi %select_n3A_107, %sub3A_109 : vector<256x1024xi32>
    %select_n3A_111 = arith.select %ge3A_108, %sub3A_110, %select_n3A_107 : vector<256x1024xi1>, vector<256x1024xi32>
    %iota3A_112 = tpu.iota {dimensions = array<i32: 1>} : vector<256x1024xi32>
    %and3A = arith.constant 15 : i32
    %and3A_113 = vector.broadcast %and3A : i32 to vector<256x1024xi32>
    %and3A_114 = arith.andi %iota3A_112, %and3A_113 : vector<256x1024xi32>
    %add3A_115 = arith.constant 1024 : i32
    %add3A_116 = vector.broadcast %add3A_115 : i32 to vector<256x1024xi32>
    %add3A_117 = arith.addi %add3A_116, %and3A_114 : vector<256x1024xi32>
    %select_n3A_118 = arith.select %gt3A_58, %convert_element_type3A_64, %add3A_117 : vector<256x1024xi1>, vector<256x1024xi32>
    %convert_element_type3A_119 = arith.truncf %exp3A : vector<256x1024xf32> to vector<256x1024xbf16>
    %bitcast_convert_type3A = tpu.bitcast %convert_element_type3A_119 : vector<256x1024xbf16> -> vector<256x1024xi16>
    %convert_element_type3A_120 = arith.extui %bitcast_convert_type3A : vector<256x1024xi16> to vector<256x1024xi32>
    %shift_left3A = arith.constant 16 : i32
    %shift_left3A_121 = vector.broadcast %shift_left3A : i32 to vector<256x1024xi32>
    %shift_left3A_122 = arith.shli %convert_element_type3A_120, %shift_left3A_121 : vector<256x1024xi32>
    %or3A = arith.ori %select_n3A_118, %shift_left3A_122 : vector<256x1024xi32>
    %swap3A_123 = arith.constant 0 : index
    %swap3A_124 = arith.constant 0 : index
    %swap3A_125 = vector.load %arg6[%swap3A_123, %swap3A_124] : memref<256x1024xi32, #tpu.memory_space<vmem>>, vector<256x1024xi32>
    tpu.vector_store %arg6[%swap3A_123, %swap3A_124], %or3A {strides = array<i32>} : memref<256x1024xi32, #tpu.memory_space<vmem>>, vector<256x1024xi32>,
    %lt3A_126 = vector.broadcast %select_n3A_56 : vector<256x1xi32> to vector<256x1024xi32>
    %lt3A_127 = arith.cmpi slt, %iota3A_112, %lt3A_126 : vector<256x1024xi32>
    %jit3A_128 = arith.constant 1040 : i32
    %broadcast_in_dim3A_129 = vector.broadcast %jit3A_128 : i32 to vector<256x1024xi32>
    %select_n3A_130 = arith.select %lt3A_127, %broadcast_in_dim3A_129, %select_n3A_111 : vector<256x1024xi1>, vector<256x1024xi32>
    %convert_element_type3A_131 = arith.trunci %select_n3A_130 : vector<256x1024xi32> to vector<256x1024xi16>
    %swap3A_132 = arith.constant 0 : index
    %swap3A_133 = arith.constant 0 : index
    %swap3A_134 = vector.load %arg7[%swap3A_132, %swap3A_133] : memref<256x1024xi16, #tpu.memory_space<vmem>>, vector<256x1024xi16>
    tpu.vector_store %arg7[%swap3A_132, %swap3A_133], %convert_element_type3A_131 {strides = array<i32>} : memref<256x1024xi16, #tpu.memory_space<vmem>>, vector<256x1024xi16>,
    return
  }
  func.func @transform_0(%arg0: i32) -> (i32, i32) {
    %c0_i32 = arith.constant 0 : i32
    %c0_i32_0 = arith.constant 0 : i32
    return %arg0, %c0_i32 : i32, i32
  }
  func.func @transform_1(%arg0: i32) -> (i32, i32) {
    %c0_i32 = arith.constant 0 : i32
    %c0_i32_0 = arith.constant 0 : i32
    return %arg0, %c0_i32 : i32, i32
  }
  func.func @transform_2(%arg0: i32) -> (i32, i32) {
    %c0_i32 = arith.constant 0 : i32
    %c0_i32_0 = arith.constant 0 : i32
    %c0_i32_1 = arith.constant 0 : i32
    return %c0_i32, %c0_i32_0 : i32, i32
  }
  func.func @transform_3(%arg0: i32) -> (i32, i32) {
    %c0_i32 = arith.constant 0 : i32
    %c0_i32_0 = arith.constant 0 : i32
    return %arg0, %c0_i32 : i32, i32
  }
  func.func @transform_4(%arg0: i32) -> (i32, i32) {
    %c0_i32 = arith.constant 0 : i32
    %c0_i32_0 = arith.constant 0 : i32
    return %arg0, %c0_i32 : i32, i32
  }
  func.func @transform_5(%arg0: i32) -> (i32, i32) {
    %c0_i32 = arith.constant 0 : i32
    %c0_i32_0 = arith.constant 0 : i32
    return %arg0, %c0_i32 : i32, i32
  }
  func.func @transform_6(%arg0: i32) -> (i32, i32) {
    %c0_i32 = arith.constant 0 : i32
    %c0_i32_0 = arith.constant 0 : i32
    return %arg0, %c0_i32 : i32, i32
  }
  func.func @transform_7(%arg0: i32) -> (i32, i32) {
    %c0_i32 = arith.constant 0 : i32
    %c0_i32_0 = arith.constant 0 : i32
    return %arg0, %c0_i32 : i32, i32
  }
  func.func @transform_8(%arg0: i32) -> (i32, i32) {
    %c0_i32 = arith.constant 0 : i32
    %c0_i32_0 = arith.constant 0 : i32
    return %arg0, %c0_i32 : i32, i32
  }
  func.func @transform_9(%arg0: i32) -> (i32, i32) {
    %c0_i32 = arith.constant 0 : i32
    %c0_i32_0 = arith.constant 0 : i32
    return %arg0, %c0_i32 : i32, i32
  }
}

module attributes {stable_mosaic.version = 14 : i64} {
  func.func @_tc_final_body(%arg0: memref<1024x1xf32, #tpu.memory_space<vmem>>, %arg1: memref<1024x1xf32, #tpu.memory_space<vmem>>, %arg2: memref<1024x1xf32, #tpu.memory_space<vmem>>, %arg3: memref<1024x16xf32, #tpu.memory_space<vmem>>, %arg4: memref<1x1xf32, #tpu.memory_space<vmem>>) attributes {dimension_semantics = [], scalar_prefetch = 0 : i64, scratch_operands = 0 : i64, tpu.core_type = #tpu.core_type<tc>} {
    %get3A = arith.constant 0 : index
    %get3A_0 = arith.constant 0 : index
    %get3A_1 = vector.load %arg0[%get3A, %get3A_0] : memref<1024x1xf32, #tpu.memory_space<vmem>>, vector<1024x1xf32>
    %get3A_2 = arith.constant 0 : index
    %get3A_3 = arith.constant 0 : index
    %get3A_4 = vector.load %arg3[%get3A_2, %get3A_3] : memref<1024x16xf32, #tpu.memory_space<vmem>>, vector<1024x16xf32>
    %reduce_sum3A = arith.constant dense<0.000000e+00> : vector<1024xf32>
    %reduce_sum3A_5 = vector.multi_reduction <add>, %get3A_4, %reduce_sum3A [1] : vector<1024x16xf32> to vector<1024xf32>
    %broadcast_in_dim3A = vector.shape_cast %reduce_sum3A_5 : vector<1024xf32> to vector<1024x1xf32>
    %add3A = arith.addf %get3A_1, %broadcast_in_dim3A : vector<1024x1xf32>
    %log3A = math.log %add3A : vector<1024x1xf32>
    %get3A_6 = arith.constant 0 : index
    %get3A_7 = arith.constant 0 : index
    %get3A_8 = vector.load %arg1[%get3A_6, %get3A_7] : memref<1024x1xf32, #tpu.memory_space<vmem>>, vector<1024x1xf32>
    %add3A_9 = arith.addf %log3A, %get3A_8 : vector<1024x1xf32>
    %get3A_10 = arith.constant 0 : index
    %get3A_11 = arith.constant 0 : index
    %get3A_12 = vector.load %arg2[%get3A_10, %get3A_11] : memref<1024x1xf32, #tpu.memory_space<vmem>>, vector<1024x1xf32>
    %sub3A = arith.subf %add3A_9, %get3A_12 : vector<1024x1xf32>
    %reduce_sum3A_13 = vector.shape_cast %sub3A : vector<1024x1xf32> to vector<1x1024x1xf32>
    %reduce_sum3A_14 = arith.constant dense<0.000000e+00> : vector<1xf32>
    %reduce_sum3A_15 = vector.multi_reduction <add>, %reduce_sum3A_13, %reduce_sum3A_14 [1, 2] : vector<1x1024x1xf32> to vector<1xf32>
    %reduce_sum3A_16 = vector.shape_cast %reduce_sum3A_15 : vector<1xf32> to vector<1x1x1xf32>
    %reduce_sum3A_17 = vector.extract %reduce_sum3A_16[0, 0, 0] : f32 from vector<1x1x1xf32>
    %div3A = arith.constant 1.024000e+03 : f32
    %div3A_18 = arith.divf %reduce_sum3A_17, %div3A : f32
    %reshape3A = vector.broadcast %div3A_18 : f32 to vector<1x1xf32>
    %swap3A = arith.constant 0 : index
    %swap3A_19 = arith.constant 0 : index
    %swap3A_20 = vector.load %arg4[%swap3A, %swap3A_19] : memref<1x1xf32, #tpu.memory_space<vmem>>, vector<1x1xf32>
    tpu.vector_store %arg4[%swap3A, %swap3A_19], %reshape3A {strides = array<i32>} : memref<1x1xf32, #tpu.memory_space<vmem>>, vector<1x1xf32>,
    return
  }
}

</mosaic_0001>

<sc_bundles>
// kernel: kernel.5.cloned.1.call-start
scs
__scs_entry_jumppad:
0x0: {  	(pc) =	sbr.rel $0x88, $3  }
0x1: {  	(tag) =	ssettag $0x0;
	lr =	simm.s32 $0x1  }
0x2: {  	[smem:$0x3F9D] =	sst lr;
	_ =	strace $0xD0000000  }
0x3: {  	_ = 	snop  }
0x4: {  	_ = 	snop  }
0x5: {  	_ = 	snop  }
0x6: {  	_ = 	snop  }
0x7: {  	_ = 	snop  }
__scs_overlays_trampoline_lowered:
0x8: {  	[smem:$0x3FAC] =	sst s0  }
0x9: {  	[smem:$0x3FAD] =	sst s1  }
0xa: {  	[smem:$0x3FAE] =	sst s2  }
0xb: {  	[smem:$0x3FAF] =	sst s3  }
0xc: {  	[smem:$0x3FB0] =	sst s4  }
0xd: {  	[smem:$0x3FB1] =	sst s5  }
0xe: {  	[smem:$0x3FB2] =	sst s6  }
0xf: {  	[smem:$0x3FB3] =	sst s7  }
0x10: {  	[smem:$0x3FB4] =	sst s8  }
0x11: {  	[smem:$0x3FB5] =	sst s9;
	s0 =	simm.s32 @!p0 $0x0  }
0x12: {  	s1 =	sld [smem:$0x3F9B];
	s0 =	simm.s32 @p0 $0x1  }
0x13: {  	[smem:$0x3FB6] =	sst s0;
	s0 =	simm.s32 @!p1 $0x0  }
0x14: {  	s2 =	sld [smem:$0x3F9A];
	s0 =	simm.s32 @p1 $0x1  }
0x15: {  	[smem:$0x3FB7] =	sst s0;
	s0 =	simm.s32 @!p2 $0x0  }
0x16: {  	s3 =	sld [smem:$0x3FDB];
	s0 =	simm.s32 @p2 $0x1  }
0x17: {  	s4 =	simm.s32 $0x1BF5;
	[smem:$0x3FB9] =	sst s0  }
0x18: {  	s0 =	sld [smem:$0x3F9C];
	_ =	swait.ge [sflag:s4], $0x0  }
0x19: {  	s7 =	sld [smem:$0x3F9D]  }
0x1a: {  	s8 =	sadd.s32 $0xFFFFE003, lr  }
0x1b: {  	s9 =	sadd.s32 $0xFFFFFEF7, lr;
	s5 =	simm.s32 $0xFFFFFFFF;
	p2 =	slt.u32 s8, $0xFFFFF086  }
0x1c: {  	p1 =	slt.u32 s9, $0xF7A;
	s5 =	simm.s32 @!p2 $0x0  }
0x1d: {  	s5 =	simm.s32 @p1 $0x1;
	p0 =	seq.s32 s7, s2  }
0x1e: {  	s7 =	smul.u32 @!p0 $0xF7A, s2;
	p2 =	seq.s32 @!p0 s5, $0x0  }
0x1f: {  	s9 =	smul.u32 $0xF7A, s1;
	s8 =	simm.s32 @!p0 $0x1BF5;
	p2 =	por !p2, p0  }
0x20: {  	[sflag:s8] =	ssyncset.s32 @!p0 $0xFFFFF086;
	s6 =	sadd.s32 @!p0 s3, s7;
	s7 =	simm.s32 @!p0 $0x108  }
0x21: {  	s3 =	sadd.s32 s3, s9;
	s6 =	sadd.s32 @!p0 $0x88, s6;
	s7 =	simm.s32 @p2 $0x1082  }
0x22: {  	[simem:s7], [sflag:s8] =	dma.local @!p0 [hbm:s6], $0xF7A  }
0x23: {  	s9 =	sor.u32 $0xD0000000, s2;
	s6 =	simm.s32 $0x108;
	_ =	swait.ge @!p0 [sflag:s8], $0x0  }
0x24: {  	s3 =	sadd.s32 $0x88, s3;
	s6 =	simm.s32 @!p1 $0x1082;
	[sflag:s4] =	ssyncset.s32 $0xFFFFF086  }
0x25: {  	[simem:s6], [sflag:s4] =	dma.local [hbm:s3], $0xF7A  }
0x26: {  	[smem:$0x3F9D] =	sst s1;
	(tag) =	ssettag s2;
	_ =	strace s9  }
0x27: {  	s1 =	sld [smem:$0x3FAD]  }
0x28: {  	s2 =	sld [smem:$0x3FAE]  }
0x29: {  	s4 =	sld [smem:$0x3FB0]  }
0x2a: {  	p0 =	seq.s32 s5, $0x0;
	s5 =	sld [smem:$0x3FB1]  }
0x2b: {  	s6 =	sld [smem:$0x3FB2]  }
0x2c: {  	s7 =	sld [smem:$0x3FB3]  }
0x2d: {  	s3 =	simm.s32 $0x108;
	s8 =	sld [smem:$0x3FB4]  }
0x2e: {  	s3 =	simm.s32 @!p0 $0x1082;
	s9 =	sld [smem:$0x3FB5]  }
0x2f: {  	lr =	sadd.s32 s0, s3;
	s0 =	sld [smem:$0x3FAC]  }
0x30: {  	s3 =	sld [smem:$0x3FAF]  }
0x31: {  	[smem:$0x3FB8] =	sst s10  }
0x32: {  	s10 =	sld [smem:$0x3FB6];
	_ =	sdelay $0x3  }
0x33: {  	p0 =	seq.s32 s10, $0x1;
	s10 =	sld [smem:$0x3FB8];
	_ =	sdelay $0x3  }
0x34: {  	[smem:$0x3FB8] =	sst s10  }
0x35: {  	s10 =	sld [smem:$0x3FB7];
	_ =	sdelay $0x3  }
0x36: {  	p1 =	seq.s32 s10, $0x1;
	s10 =	sld [smem:$0x3FB8];
	_ =	sdelay $0x3  }
0x37: {  	[smem:$0x3FB8] =	sst s10  }
0x38: {  	s10 =	sld [smem:$0x3FB9]  }
0x39: {  	_ = 	snop;
	(pc) =	sbr.ind lr, $3  }
0x3a: {  	_ = 	snop  }
0x3b: {  	_ = 	snop  }
0x3c: {  	p2 =	seq.s32 s10, $0x1;
	s10 =	sld [smem:$0x3FB8]  }
0x3d: {  	_ =	shalt  }
0x3e: {  	_ =	shalt  }
0x3f: {  	_ =	shalt  }
0x40: {  	_ =	shalt  }
0x41: {  	_ =	shalt  }
0x42: {  	_ =	shalt  }
0x43: {  	_ =	shalt  }
0x44: {  	_ =	shalt  }
0x45: {  	_ =	shalt  }
0x46: {  	_ =	shalt  }
0x47: {  	_ =	shalt  }
0x48: {  	_ =	shalt  }
0x49: {  	_ =	shalt  }
0x4a: {  	_ =	shalt  }
0x4b: {  	_ =	shalt  }
0x4c: {  	_ =	shalt  }
0x4d: {  	_ =	shalt  }
0x4e: {  	_ =	shalt  }
0x4f: {  	_ =	shalt  }
0x50: {  	_ =	shalt  }
0x51: {  	_ =	shalt  }
0x52: {  	_ =	shalt  }
0x53: {  	_ =	shalt  }
0x54: {  	_ =	shalt  }
0x55: {  	_ =	shalt  }
0x56: {  	_ =	shalt  }
0x57: {  	_ =	shalt  }
0x58: {  	_ =	shalt  }
0x59: {  	_ =	shalt  }
0x5a: {  	_ =	shalt  }
0x5b: {  	_ =	shalt  }
0x5c: {  	_ =	shalt  }
0x5d: {  	_ =	shalt  }
0x5e: {  	_ =	shalt  }
0x5f: {  	_ =	shalt  }
0x60: {  	_ =	shalt  }
0x61: {  	_ =	shalt  }
0x62: {  	_ =	shalt  }
0x63: {  	_ =	shalt  }
0x64: {  	_ =	shalt  }
0x65: {  	_ =	shalt  }
0x66: {  	_ =	shalt  }
0x67: {  	_ =	shalt  }
0x68: {  	_ =	shalt  }
0x69: {  	_ =	shalt  }
0x6a: {  	_ =	shalt  }
0x6b: {  	_ =	shalt  }
0x6c: {  	_ =	shalt  }
0x6d: {  	_ =	shalt  }
0x6e: {  	_ =	shalt  }
0x6f: {  	_ =	shalt  }
0x70: {  	_ =	shalt  }
0x71: {  	_ =	shalt  }
0x72: {  	_ =	shalt  }
0x73: {  	_ =	shalt  }
0x74: {  	_ =	shalt  }
0x75: {  	_ =	shalt  }
0x76: {  	_ =	shalt  }
0x77: {  	_ =	shalt  }
0x78: {  	_ =	shalt  }
0x79: {  	_ =	shalt  }
0x7a: {  	_ =	shalt  }
0x7b: {  	_ =	shalt  }
0x7c: {  	_ =	shalt  }
0x7d: {  	_ =	shalt  }
0x7e: {  	_ =	shalt  }
0x7f: {  	_ =	shalt  }
0x80: {  	_ =	shalt  }
0x81: {  	_ =	shalt  }
0x82: {  	_ =	shalt  }
0x83: {  	_ =	shalt  }
0x84: {  	_ =	shalt  }
0x85: {  	_ =	shalt  }
0x86: {  	_ =	shalt  }
0x87: {  	_ =	shalt  }
.Lfunc_end0:
.L_simem_size_0:
called_computation_lowered:
.L_overlay_start_0:
0x88: {  	s2 =	sld [smem:$0x3FD9]  }
0x89: {  	s3 =	sld [smem:$0x3FFE];
	_ =	sdelay $0x1  }
0x8a: {  	s1 =	srdreg.scid  }
0x8b: {  	s0 =	sand.u32 $0x1, s1  }
0x8c: {  	s16 =	sshll.u32 s0, $0xA;
	s2 =	sadd.s32 s3, s2  }
0x8d: {  	s2 =	sadd.s32 s2, s16  }
0x8e: {  	[smem:$0x3FC4] =	sst s2  }
0x8f: {  	_ = 	snop  }
0x90: {  	(tm) =	ssettm $0x1  }
0x91: {  	s17 =	sld [smem:$0x3FFB];
	_ =	sdelay $0x3  }
0x92: {  	_ =	strace s17  }
0x93: {  	s2 =	sld [smem:$0x3FFC];
	_ =	sdelay $0x3  }
0x94: {  	_ =	strace s2  }
0x95: {  	s2 =	sld [smem:$0x3FFD];
	_ =	sdelay $0x3  }
0x96: {  	_ =	strace s2  }
0x97: {  	_ =	strace $0x8FFFFFFF  }
0x98: {  	s18 =	sld [smem:$0x3FDB];
	_ =	sdelay $0x1  }
0x99: {  	s19 =	simm.s32 $_scs_section_size  }
0x9a: {  	s4 =	simm.s32 $_size__tile_overlayer_lowered;
	s5 =	simm.s32 $_tile_overlayer_lowered  }
0x9b: {  	s22 =	simm.s32 $0x1BFF;
	s21 =	sshll.u32 s5, $0x1;
	s2 =	sadd.s32 s19, s18  }
0x9c: {  	s6 =	simm.s32 $0x0;
	s20 =	sshll.u32 s4, $0x1;
	s4 =	sadd.s32 s21, s2  }
0x9d: {  	[timem:s6], [sflag:s22] =	dma.local [hbm:s4], s20  }
0x9e: {  	_ =	swait.ge [sflag:s22], s20  }
0x9f: {  	s3 =	ssub.s32 $0x0, s20;
	[sflag:s22] =	ssyncset.done $0x0  }
0xa0: {  	[sflag:s22] =	ssyncadd.s32 s3;
	_ =	sdelay $0x1  }
0xa1: {  	s23 =	simm.s32 $0x1B8B  }
0xa2: {  	_ =	swait.ge [sflag:s23], $0x1  }
0xa3: {  	[sflag:s23] =	ssyncset.done $0x0  }
0xa4: {  	s25 =	simm.s32 $0x1B8E;
	s24 =	sld [smem:$0x3FFE];
	[sflag:s23] =	ssyncadd.s32 $0xFFFFFFFF  }
0xa5: {  	s26 =	simm.s32 $execute0_lowered;
	[smem:$0x3FD2] =	sst s25  }
0xa6: {  	s4 =	sshll.u32 s26, $0x1;
	_ =	strace $0x80000046;
	[dreg:$0x1] =	wrdreg $0xFFFFFFFF  }
0xa7: {  	s28 =	simm.s32 $_size_execute0_lowered;
	s2 =	sadd.s32 s2, s4;
	[dreg:$0x0] =	wrdreg $0x0  }
0xa8: {  	s4 =	sshll.u32 s28, $0x1;
	[dreg:$0x2] =	wrdreg s2  }
0xa9: {  	[dreg:$0x3] =	wrdreg s4  }
0xaa: {  	[dreg:$0x4] =	wrdreg $0xC0  }
0xab: {  	_ =	task [dreg:s6], $0x5FFFF  }
0xac: {  	[dreg:$0x1] =	wrdreg $0xFFFFFFFF  }
0xad: {  	[dreg:$0x0] =	wrdreg $0x60  }
0xae: {  	[dreg:$0x2] =	wrdreg s24  }
0xaf: {  	[dreg:$0x3] =	wrdreg $0x9  }
0xb0: {  	_ =	task.clear_ibuf [dreg:s6], $0x4FFFF;
	_ =	strace $0x90000046  }
0xb1: {  	s29 =	simm.s32 $0x9;
	_ =	strace $0x80000048  }
0xb2: {  	_ =	swait.ge [sflag:s29], $0x1  }
0xb3: {  	[sflag:s29] =	ssyncadd.s32 $0xFFFFFFFF  }
0xb4: {  	_ =	strace $0x90000048  }
0xb5: {  	_ =	sfence  }
0xb6: {  	s30 =	sld [smem:$0x0];
	_ =	sdelay $0x2  }
0xb7: {  	s31 =	sshll.u32 s1, $0xD;
	s1 =	sshrl.u32 s1, $0x2  }
0xb8: {  	s3 =	sand.u32 $0x4000, s31;
	s1 =	sadd.s32 s1, s30  }
0xb9: {  	s0 =	sor.u32 s3, s0;
	s1 =	sshll.u32 s1, $0x11  }
0xba: {  	s0 =	sor.u32 s1, s0  }
0xbb: {  	s0 =	sadd.s32 $0x8F2B, s0  }
0xbc: {  	[sflag:s0] =	ssyncadd.remote.s32 $0x1  }
0xbd: {  	_ =	sfence.sel $0xFFFF  }
0xbe: {  	[dreg:$0x0] =	wrdreg $0xFFFFFFFF;
	(pc) =	sbr.abs _section_cstart, $3  }
0xbf: {  	[dreg:$0x1] =	wrdreg $0xFFFFFFFF  }
0xc0: {  	_ =	task.clear_ibuf [dreg:s6], $0x2FFFF;
	_ =	strace $0x9FFFFFFF  }
0xc1: {  	(tm) =	ssettm $0x7FFFFFFF  }
tec
execute0_lowered:
.L_overlay_start_1:
0x0: {  	(tag) =	ssettag $0x1  }
0x1: {  	s0 =	rddreg [dreg:$0x0]  }
0x2: {  	s3 =	srdreg.scid;
	s1 =	stileid.u32;
	s2 =	simm.s32 $0x0  }
0x3: {  	s13 =	simm.s32 $0xC000;
	s14 =	simm.s32 $0xC480;
	s15 =	simm.s32 $0x2  }
0x4: {  	s17 =	simm.s32 $0x3;
	s18 =	simm.s32 $0x0;
	s3 =	sand.u32 $0x1, s3  }
0x5: {  	s4 =	sshll.u32 s1, $0x1;
	[smem:$0x7FF] =	sst s2;
	s5 =	sadd.s32 $0xA00, s0  }
0x6: {  	s7 =	sadd.s32 $0x20A00, s0;
	s4 =	sor.u32 s3, s4;
	s3 =	ssub.s32 $0x2, s3  }
0x7: {  	_ =	strace $0x80000047;
	s6 =	sshll.u32 s4, $0x6;
	s30 =	sshrl.u32 s3, $0x1  }
0x8: {  	s8 =	sshll.u32 s4, $0x5;
	s9 =	sshll.u32 s4, $0xC;
	s4 =	sshll.u32 s4, $0xB  }
0x9: {  	s0 =	sadd.s32 s6, s0;
	s10 =	ssub.s32 s3, s30;
	s31 =	sor.u32 $0x10, s8  }
0xa: {  	s3 =	sadd.s32 s5, s9;
	s8 =	sshll.u32 s31, $0x7;
	s6 =	sshll.u32 s31, $0x6  }
0xb: {  	s4 =	sadd.s32 s7, s4;
	s5 =	sadd.s32 s5, s8;
	s6 =	sadd.s32 s7, s6  }
0xc: {  	v0 =	vimm.f32 $0.0e+00;
	s7 =	sadd.s32 $0x30A00, s0;
	s8 =	smax.u32 s10, $0x1;
	s10 =	simm.s32 $0x1  }
.LBB2_1:
0xd: {  	[tilespmem:$0xC410] =	vst v0  }
0xe: {  	[tilespmem:$0xC890] =	vst v0  }
0xf: {  	[tilespmem:s2], [sflag:$0x1] =	stream.linear.gather [hbm4b:s3+s2], $0x4000, $0x38;
	[tilespmem:$0xCB00] =	vst v63  }
0x10: {  	s0 =	simm.s32 $0x4000  }
0x11: {  	[tilespmem:s0], [sflag:$0x1] =	stream.linear.gather [hbm4b:s4+s2], $0x2000, $0x38;
	[tilespmem:$0xCB00] =	vst v63  }
0x12: {  	_ =	swait.ge [sflag:s10], $0x4000  }
0x13: {  	[sflag:s10] =	ssyncset.done $0x0  }
0x14: {  	[sflag:s10] =	ssyncadd.s32 $0xFFFFC000  }
0x15: {  	_ =	swait.ge [sflag:s10], $0x2000  }
0x16: {  	[sflag:s10] =	ssyncset.done $0x0  }
0x17: {  	s30 =	simm.s32 $0x6000;
	s31 =	simm.s32 $0xA000;
	[sflag:s10] =	ssyncadd.s32 $0xFFFFE000  }
0x18: {  	[tilespmem:s30], [sflag:$0x2] =	stream.linear.gather [hbm4b:s5+s2], $0x4000, $0x38;
	[tilespmem:$0xCB00] =	vst v63  }
0x19: {  	s20 =	simm.s32 $0x0;
	s21 =	simm.s32 $0x0;
	s0 =	simm.s32 $0xFFFFFFFC  }
0x1a: {  	[tilespmem:s31], [sflag:$0x2] =	stream.linear.gather [hbm4b:s6+s2], $0x2000, $0x38;
	[tilespmem:$0xCB00] =	vst v63  }
.LBB2_2:
0x1b: {  	s19 =	sand.u32 $0x40, s20;
	s22 =	sand.u32 $0x1C00, s21  }
0x1c: {  	s19 =	sor.u32 s19, s22  }
0x1d: {  	v1 =	vld [tilespmem:s19+$0x0];
	_ =	sdelay $0x4  }
0x1e: {  	v2 =	vand.u32 $0xFFFF, v1;
	_ =	sdelay $0x3  }
0x1f: {  	v1 =	vand.u32 $0xFFFF0000, v1  }
0x20: {  	[tilespmem:v2+s13+$0x0] =	vst.idx.msk $0xffff, v1  }
0x21: {  	v1 =	vld [tilespmem:s19+$0x10];
	_ =	sdelay $0x4  }
0x22: {  	v2 =	vand.u32 $0xFFFF, v1;
	_ =	sdelay $0x3  }
0x23: {  	v1 =	vand.u32 $0xFFFF0000, v1  }
0x24: {  	[tilespmem:v2+s13+$0x0] =	vst.idx.msk $0xffff, v1  }
0x25: {  	v1 =	vld [tilespmem:s19+$0x20];
	_ =	sdelay $0x4  }
0x26: {  	v2 =	vand.u32 $0xFFFF, v1;
	_ =	sdelay $0x3  }
0x27: {  	v1 =	vand.u32 $0xFFFF0000, v1  }
0x28: {  	[tilespmem:v2+s13+$0x0] =	vst.idx.msk $0xffff, v1  }
0x29: {  	v1 =	vld [tilespmem:s19+$0x30];
	_ =	sdelay $0x3  }
0x2a: {  	s0 =	sadd.s32 $0x4, s0  }
0x2b: {  	p0 =	slt.u32 s0, $0x3C;
	v2 =	vand.u32 $0xFFFF, v1  }
.Ltmp0:
0x2c: {  	_ = 	snop;
	(pc) =	sbr.rel @p0 .LBB2_2-.Ltmp0, $3  }
0x2d: {  	_ =	sdelay $0x1  }
0x2e: {  	v1 =	vand.u32 $0xFFFF0000, v1  }
0x2f: {  	s21 =	sadd.s32 $0x200, s21;
	s20 =	sadd.s32 $0x40, s20;
	s19 =	simm.s32 $0x0;
	[tilespmem:v2+s13+$0x0] =	vst.idx.msk $0xffff, v1  }
0x30: {  	s20 =	simm.s32 $0x0  }
.LBB2_4:
0x31: {  	s21 =	sshllo.u32 s20, $0x1  }
0x32: {  	s0 =	sshll.u32 s21, $0x7  }
0x33: {  	s0 =	sand.u32 $0x380, s0  }
0x34: {  	v1 =	vmov s0  }
0x35: {  	s26 =	sshll.u32 s20, $0xB  }
0x36: {  	s23 =	simm.s32 $0x0;
	s24 =	sand.u32 $0x1C00, s19;
	s22 =	sand.u32 $0x2000, s26  }
0x37: {  	s25 =	sand.u32 $0x40, s23;
	s24 =	sadd.s32 s24, s22  }
0x38: {  	s25 =	sadd.s32 s25, s24  }
0x39: {  	v2 =	vld.idx.msk [tilespmem:v1+s25+$0x0 ss:$0x1], $0xffff;
	_ =	sdelay $0x4  }
0x3a: {  	v3 =	vand.u32 $0xFFFF, v2;
	_ =	sdelay $0x3  }
0x3b: {  	v2 =	vand.u32 $0xFFFF0000, v2  }
0x3c: {  	[tilespmem:v3+s14+$0x0] =	vst.idx.msk $0xffff, v2  }
0x3d: {  	v2 =	vld.idx.msk [tilespmem:v1+s25+$0x10 ss:$0x1], $0xffff;
	_ =	sdelay $0x4  }
0x3e: {  	v3 =	vand.u32 $0xFFFF, v2;
	_ =	sdelay $0x1  }
0x3f: {  	s1 =	sand.u32 $0x300, s23;
	s0 =	sshrl.u32 s26, $0x1;
	s26 =	simm.s32 $0x0  }
0x40: {  	s9 =	sshrl.u32 s1, $0x1;
	s23 =	sadd.s32 $0x4000, s0;
	s11 =	sand.u32 $0x80, s26  }
0x41: {  	s12 =	simm.s32 $0x20;
	s0 =	sadd.s32 s9, s23;
	s25 =	sshrl.u32 s11, $0x1;
	v2 =	vand.u32 $0xFFFF0000, v2  }
0x42: {  	s16 =	sand.u32 $0x60, s12;
	s0 =	sadd.s32 s25, s0;
	[tilespmem:v3+s14+$0x0] =	vst.idx.msk $0xffff, v2  }
0x43: {  	s1 =	sadd.s32 s16, s24;
	v2 =	vld [tilespmem:s0+$0x0]  }
0x44: {  	v3 =	vld.idx.msk [tilespmem:v1+s1+$0x0 ss:$0x1], $0xffff;
	_ =	sdelay $0x3  }
0x45: {  	v4 =	vand.u32 $0xFFFF, v2  }
0x46: {  	v2 =	vshrl.u32 v2, $0x10;
	v5 =	vand.u32 $0xFFFF, v3;
	_ =	sdelay $0x3  }
0x47: {  	v3 =	vand.u32 $0xFFFF0000, v3;
	v4 =	vld.idx.msk [tilespmem:v4+s13+$0x0], $0xffff  }
0x48: {  	v2 =	vld.idx.msk [tilespmem:v2+s13+$0x0], $0xffff;
	[tilespmem:v5+s14+$0x0] =	vst.idx.msk $0xffff, v3  }
0x49: {  	v3 =	vld.idx.msk [tilespmem:v1+s1+$0x10 ss:$0x1], $0xffff;
	_ =	sdelay $0x4  }
0x4a: {  	v5 =	vand.u32 $0xFFFF, v3;
	_ =	sdelay $0x1  }
0x4b: {  	s28 =	simm.s32 $0x40;
	s9 =	sand.u32 $0x300, s12;
	s25 =	simm.s32 $0x40  }
0x4c: {  	s26 =	simm.s32 $0x200;
	s11 =	sand.u32 $0xC0, s25;
	s0 =	sshrl.u32 s9, $0x1  }
0x4d: {  	s29 =	sand.u32 $0x1C00, s26;
	s24 =	sshrl.u32 s11, $0x1;
	s0 =	sadd.s32 s0, s23;
	v3 =	vand.u32 $0xFFFF0000, v3  }
0x4e: {  	s12 =	sand.u32 $0x40, s28;
	s31 =	sadd.s32 s29, s22;
	s0 =	sadd.s32 s24, s0;
	[tilespmem:v5+s14+$0x0] =	vst.idx.msk $0xffff, v3  }
0x4f: {  	s1 =	sadd.s32 s12, s31;
	v3 =	vld [tilespmem:s0+$0x0]  }
0x50: {  	v5 =	vld.idx.msk [tilespmem:v1+s1+$0x0 ss:$0x1], $0xffff;
	_ =	sdelay $0x3  }
0x51: {  	v6 =	vand.u32 $0xFFFF, v3  }
0x52: {  	v7 =	vshrl.u32 v3, $0x10;
	v8 =	vand.u32 $0xFFFF, v5;
	_ =	sdelay $0x2  }
0x53: {  	v9 =	vimm.f32 $0.0e+00;
	s29 =	simm.s32 $0x60  }
0x54: {  	s28 =	sand.u32 $0x300, s28;
	s16 =	sand.u32 $0x300, s29;
	v5 =	vand.u32 $0xFFFF0000, v5;
	v3 =	vld.idx.msk [tilespmem:v6+s13+$0x0], $0xffff;
	v6 =	vadd.f32 v4, v9  }
0x55: {  	s30 =	simm.s32 $0x2;
	s28 =	sshrl.u32 s28, $0x1;
	s9 =	sshrl.u32 s16, $0x1;
	v4 =	vld.idx.msk [tilespmem:v7+s13+$0x0], $0xffff;
	[tilespmem:v8+s14+$0x0] =	vst.idx.msk $0xffff, v5  }
0x56: {  	s24 =	sshll.u32 s20, $0x1;
	s0 =	sadd.s32 s28, s23;
	s28 =	sadd.s32 s9, s23;
	v5 =	vld.idx.msk [tilespmem:v1+s1+$0x10 ss:$0x1], $0xffff;
	v2 =	vadd.f32 v2, v6  }
.LBB2_5:
0x57: {  	s30 =	sadd.s32 $0x2, s30;
	s25 =	sadd.s32 $0x80, s25  }
0x58: {  	p0 =	slt.u32 s30, $0x1E  }
0x59: {  	v2 =	vadd.f32 v3, v2;
	_ =	sdelay $0x1  }
0x5a: {  	v2 =	vadd.f32 v4, v2  }
0x5b: {  	v3 =	vand.u32 $0xFFFF, v5  }
0x5c: {  	s1 =	sadd.s32 $0xFFFFFFC0, s25  }
0x5d: {  	s1 =	sand.u32 $0x80, s1  }
0x5e: {  	s9 =	sand.u32 $0x60, s29;
	s1 =	sshrl.u32 s1, $0x1  }
0x5f: {  	v4 =	vand.u32 $0xFFFF0000, v5;
	s0 =	sadd.s32 s1, s0;
	s1 =	sadd.s32 s9, s31  }
0x60: {  	[tilespmem:v3+s14+$0x0] =	vst.idx.msk $0xffff, v4  }
0x61: {  	v3 =	vld [tilespmem:s0+$0x0]  }
0x62: {  	v4 =	vld.idx.msk [tilespmem:v1+s1+$0x0 ss:$0x1], $0xffff;
	_ =	sdelay $0x3  }
0x63: {  	v5 =	vand.u32 $0xFFFF, v3;
	v3 =	vshrl.u32 v3, $0x10;
	_ =	sdelay $0x1  }
0x64: {  	v6 =	vand.u32 $0xFFFF, v4;
	_ =	sdelay $0x2  }
0x65: {  	v4 =	vand.u32 $0xFFFF0000, v4;
	v5 =	vld.idx.msk [tilespmem:v5+s13+$0x0], $0xffff  }
0x66: {  	v3 =	vld.idx.msk [tilespmem:v3+s13+$0x0], $0xffff  }
0x67: {  	[tilespmem:v6+s14+$0x0] =	vst.idx.msk $0xffff, v4  }
0x68: {  	v4 =	vld.idx.msk [tilespmem:v1+s1+$0x10 ss:$0x1], $0xffff;
	_ =	sdelay $0x2  }
0x69: {  	v2 =	vadd.f32 v5, v2;
	_ =	sdelay $0x1  }
0x6a: {  	v2 =	vadd.f32 v3, v2  }
0x6b: {  	s29 =	sadd.s32 $0x40, s29;
	s26 =	sadd.s32 $0x200, s26;
	s0 =	sand.u32 $0xC0, s25;
	v3 =	vand.u32 $0xFFFF, v4  }
0x6c: {  	s11 =	sand.u32 $0x300, s29;
	s9 =	sand.u32 $0x1C00, s26;
	s1 =	sadd.s32 $0xFFFFFFE0, s29  }
0x6d: {  	s16 =	sshrl.u32 s0, $0x1;
	s12 =	sand.u32 $0x40, s1;
	s1 =	sand.u32 $0x300, s1  }
0x6e: {  	s31 =	sadd.s32 s9, s22;
	s0 =	sshrl.u32 s1, $0x1;
	s1 =	sshrl.u32 s11, $0x1;
	v4 =	vand.u32 $0xFFFF0000, v4  }
0x6f: {  	s9 =	sadd.s32 s12, s31;
	s0 =	sadd.s32 s0, s23;
	s1 =	sadd.s32 s1, s23  }
0x70: {  	s11 =	sadd.s32 s16, s28;
	s28 =	smov.u32 s1;
	[tilespmem:v3+s14+$0x0] =	vst.idx.msk $0xffff, v4  }
0x71: {  	v3 =	vld [tilespmem:s11+$0x0]  }
0x72: {  	v4 =	vld.idx.msk [tilespmem:v1+s9+$0x0 ss:$0x1], $0xffff;
	_ =	sdelay $0x3  }
0x73: {  	v5 =	vand.u32 $0xFFFF, v3;
	v6 =	vshrl.u32 v3, $0x10;
	_ =	sdelay $0x1  }
0x74: {  	v7 =	vand.u32 $0xFFFF, v4;
	_ =	sdelay $0x1  }
.Ltmp1:
0x75: {  	(pc) =	sbr.rel @p0 .LBB2_5-.Ltmp1, $4  }
0x76: {  	v3 =	vld.idx.msk [tilespmem:v5+s13+$0x0], $0xffff  }
0x77: {  	v5 =	vand.u32 $0xFFFF0000, v4;
	v4 =	vld.idx.msk [tilespmem:v6+s13+$0x0], $0xffff  }
0x78: {  	[tilespmem:v7+s14+$0x0] =	vst.idx.msk $0xffff, v5  }
0x79: {  	v5 =	vld.idx.msk [tilespmem:v1+s9+$0x10 ss:$0x1], $0xffff  }
0x7a: {  	_ =	sdelay $0x3  }
0x7b: {  	v6 =	vand.u32 $0xFFFF, v5  }
0x7c: {  	s1 =	sadd.s32 $0x80, s25  }
0x7d: {  	s9 =	sadd.s32 $0xFFFFFFC0, s1  }
0x7e: {  	s9 =	sand.u32 $0x80, s9  }
0x7f: {  	s9 =	sshrl.u32 s9, $0x1;
	v5 =	vand.u32 $0xFFFF0000, v5  }
0x80: {  	s26 =	sand.u32 $0x60, s29;
	s0 =	sadd.s32 s9, s0;
	[tilespmem:v6+s14+$0x0] =	vst.idx.msk $0xffff, v5  }
0x81: {  	s31 =	sadd.s32 s26, s31;
	v5 =	vld [tilespmem:s0+$0x0]  }
0x82: {  	v6 =	vld.idx.msk [tilespmem:v1+s31+$0x0 ss:$0x1], $0xffff;
	_ =	sdelay $0x3  }
0x83: {  	v7 =	vand.u32 $0xFFFF, v5  }
0x84: {  	v5 =	vshrl.u32 v5, $0x10;
	v8 =	vand.u32 $0xFFFF, v6;
	_ =	sdelay $0x3  }
0x85: {  	v6 =	vand.u32 $0xFFFF0000, v6;
	v7 =	vld.idx.msk [tilespmem:v7+s13+$0x0], $0xffff  }
0x86: {  	v5 =	vld.idx.msk [tilespmem:v5+s13+$0x0], $0xffff;
	[tilespmem:v8+s14+$0x0] =	vst.idx.msk $0xffff, v6  }
0x87: {  	v1 =	vld.idx.msk [tilespmem:v1+s31+$0x10 ss:$0x1], $0xffff;
	_ =	sdelay $0x4  }
0x88: {  	v6 =	vand.u32 $0xFFFF, v1;
	_ =	sdelay $0x2  }
0x89: {  	s9 =	sand.u32 $0xC0, s1  }
0x8a: {  	s0 =	sshrl.u32 s9, $0x1;
	v1 =	vand.u32 $0xFFFF0000, v1  }
0x8b: {  	s0 =	sadd.s32 s0, s28;
	[tilespmem:v6+s14+$0x0] =	vst.idx.msk $0xffff, v1  }
0x8c: {  	v1 =	vld [tilespmem:s0+$0x0];
	_ =	sdelay $0x4  }
0x8d: {  	v6 =	vand.u32 $0xFFFF, v1;
	_ =	sdelay $0x1  }
0x8e: {  	v2 =	vadd.f32 v3, v2;
	v1 =	vshrl.u32 v1, $0x10;
	_ =	sdelay $0x1  }
0x8f: {  	v2 =	vadd.f32 v4, v2  }
0x90: {  	v3 =	vld.idx.msk [tilespmem:v6+s13+$0x0], $0xffff  }
0x91: {  	v2 =	vadd.f32 v7, v2  }
0x92: {  	s11 =	sadd.s32 $0x2, s24;
	v4 =	vld.idx.msk [tilespmem:v1+s13+$0x0], $0xffff  }
0x93: {  	s12 =	sshll.u32 s11, $0x7;
	v1 =	vadd.f32 v5, v2  }
0x94: {  	s1 =	sand.u32 $0x300, s12  }
0x95: {  	v2 =	vadd.f32 v3, v1;
	v1 =	vmov s1  }
0x96: {  	s16 =	sshll.u32 s20, $0x5;
	s23 =	simm.s32 $0x0;
	s0 =	sshll.u32 s11, $0xA  }
0x97: {  	s24 =	simm.s32 $0x0;
	s9 =	sand.u32 $0x1C00, s23;
	s22 =	sand.u32 $0x6000, s0;
	v2 =	vadd.f32 v4, v2  }
0x98: {  	s11 =	sand.u32 $0x40, s24;
	s9 =	sadd.s32 s9, s22;
	s1 =	sand.u32 $0x3FFFFFE0, s16  }
0x99: {  	s25 =	sadd.s32 s11, s9;
	[tilespmem:s1+$0xC900] =	vst v2  }
0x9a: {  	v2 =	vld.idx.msk [tilespmem:v1+s25+$0x0 ss:$0x1], $0xffff;
	_ =	sdelay $0x4  }
0x9b: {  	v3 =	vand.u32 $0xFFFF, v2;
	_ =	sdelay $0x3  }
0x9c: {  	v2 =	vand.u32 $0xFFFF0000, v2  }
0x9d: {  	[tilespmem:v3+s13+$0x0] =	vst.idx.msk $0xffff, v2  }
0x9e: {  	v2 =	vld.idx.msk [tilespmem:v1+s25+$0x10 ss:$0x1], $0xffff;
	_ =	sdelay $0x4  }
0x9f: {  	v3 =	vand.u32 $0xFFFF, v2  }
0xa0: {  	s26 =	sshll.u32 s21, $0x9  }
0xa1: {  	s31 =	simm.s32 $0x0;
	s0 =	sand.u32 $0x300, s24;
	s1 =	sand.u32 $0x3FFFFE00, s26  }
0xa2: {  	s0 =	sshrl.u32 s0, $0x1;
	s11 =	sand.u32 $0x80, s31;
	s23 =	sadd.s32 $0x4000, s1  }
0xa3: {  	s12 =	simm.s32 $0x20;
	s1 =	sshrl.u32 s11, $0x1;
	s0 =	sadd.s32 s0, s23;
	v2 =	vand.u32 $0xFFFF0000, v2  }
0xa4: {  	s16 =	sand.u32 $0x60, s12;
	s0 =	sadd.s32 s1, s0;
	[tilespmem:v3+s13+$0x0] =	vst.idx.msk $0xffff, v2  }
0xa5: {  	s24 =	sadd.s32 s16, s9;
	v2 =	vld [tilespmem:s0+$0x0]  }
0xa6: {  	v3 =	vld.idx.msk [tilespmem:v1+s24+$0x0 ss:$0x1], $0xffff;
	_ =	sdelay $0x3  }
0xa7: {  	v4 =	vand.u32 $0xFFFF, v2  }
0xa8: {  	v2 =	vshrl.u32 v2, $0x10;
	v5 =	vand.u32 $0xFFFF, v3;
	_ =	sdelay $0x3  }
0xa9: {  	v3 =	vand.u32 $0xFFFF0000, v3;
	v4 =	vld.idx.msk [tilespmem:v4+s14+$0x0], $0xffff  }
0xaa: {  	v2 =	vld.idx.msk [tilespmem:v2+s14+$0x0], $0xffff;
	[tilespmem:v5+s13+$0x0] =	vst.idx.msk $0xffff, v3  }
0xab: {  	v3 =	vld.idx.msk [tilespmem:v1+s24+$0x10 ss:$0x1], $0xffff;
	_ =	sdelay $0x4  }
0xac: {  	v5 =	vand.u32 $0xFFFF, v3;
	_ =	sdelay $0x1  }
0xad: {  	s31 =	simm.s32 $0x40;
	s25 =	sand.u32 $0x300, s12;
	s24 =	simm.s32 $0x40  }
0xae: {  	s0 =	sshrl.u32 s25, $0x1;
	s25 =	simm.s32 $0x200;
	s26 =	sand.u32 $0xC0, s24  }
0xaf: {  	s0 =	sadd.s32 s0, s23;
	s12 =	sand.u32 $0x1C00, s25;
	s1 =	sshrl.u32 s26, $0x1;
	v3 =	vand.u32 $0xFFFF0000, v3  }
0xb0: {  	s16 =	sand.u32 $0x40, s31;
	s30 =	sadd.s32 s12, s22;
	s0 =	sadd.s32 s1, s0;
	[tilespmem:v5+s13+$0x0] =	vst.idx.msk $0xffff, v3  }
0xb1: {  	s1 =	sadd.s32 s16, s30;
	v3 =	vld [tilespmem:s0+$0x0]  }
0xb2: {  	v5 =	vld.idx.msk [tilespmem:v1+s1+$0x0 ss:$0x1], $0xffff;
	_ =	sdelay $0x3  }
0xb3: {  	v6 =	vand.u32 $0xFFFF, v3  }
0xb4: {  	v7 =	vshrl.u32 v3, $0x10;
	v63 =	vand.u32 $0xFFFF, v5;
	_ =	sdelay $0x2  }
0xb5: {  	v9 =	vimm.f32 $0.0e+00;
	s28 =	simm.s32 $0x60  }
0xb6: {  	s9 =	sand.u32 $0x300, s31;
	s26 =	sand.u32 $0x300, s28;
	v5 =	vand.u32 $0xFFFF0000, v5;
	v3 =	vld.idx.msk [tilespmem:v6+s14+$0x0], $0xffff;
	v6 =	vadd.f32 v4, v9  }
0xb7: {  	s9 =	sshrl.u32 s9, $0x1;
	s31 =	sshrl.u32 s26, $0x1;
	v4 =	vld.idx.msk [tilespmem:v7+s14+$0x0], $0xffff;
	[tilespmem:v63+s13+$0x0] =	vst.idx.msk $0xffff, v5  }
0xb8: {  	s29 =	simm.s32 $0x2;
	s26 =	sadd.s32 s31, s23;
	s0 =	sadd.s32 s9, s23;
	v5 =	vld.idx.msk [tilespmem:v1+s1+$0x10 ss:$0x1], $0xffff;
	v2 =	vadd.f32 v2, v6  }
.LBB2_7:
0xb9: {  	s29 =	sadd.s32 $0x2, s29;
	s24 =	sadd.s32 $0x80, s24  }
0xba: {  	p0 =	slt.u32 s29, $0x1E  }
0xbb: {  	v2 =	vadd.f32 v3, v2;
	_ =	sdelay $0x1  }
0xbc: {  	v2 =	vadd.f32 v4, v2  }
0xbd: {  	v3 =	vand.u32 $0xFFFF, v5  }
0xbe: {  	s1 =	sadd.s32 $0xFFFFFFC0, s24  }
0xbf: {  	s1 =	sand.u32 $0x80, s1  }
0xc0: {  	s9 =	sand.u32 $0x60, s28;
	s1 =	sshrl.u32 s1, $0x1  }
0xc1: {  	v4 =	vand.u32 $0xFFFF0000, v5;
	s0 =	sadd.s32 s1, s0;
	s1 =	sadd.s32 s9, s30  }
0xc2: {  	[tilespmem:v3+s13+$0x0] =	vst.idx.msk $0xffff, v4  }
0xc3: {  	v3 =	vld [tilespmem:s0+$0x0]  }
0xc4: {  	v4 =	vld.idx.msk [tilespmem:v1+s1+$0x0 ss:$0x1], $0xffff;
	_ =	sdelay $0x3  }
0xc5: {  	v5 =	vand.u32 $0xFFFF, v3;
	v3 =	vshrl.u32 v3, $0x10;
	_ =	sdelay $0x1  }
0xc6: {  	v6 =	vand.u32 $0xFFFF, v4;
	_ =	sdelay $0x2  }
0xc7: {  	v4 =	vand.u32 $0xFFFF0000, v4;
	v5 =	vld.idx.msk [tilespmem:v5+s14+$0x0], $0xffff  }
0xc8: {  	v3 =	vld.idx.msk [tilespmem:v3+s14+$0x0], $0xffff  }
0xc9: {  	[tilespmem:v6+s13+$0x0] =	vst.idx.msk $0xffff, v4  }
0xca: {  	v4 =	vld.idx.msk [tilespmem:v1+s1+$0x10 ss:$0x1], $0xffff;
	_ =	sdelay $0x2  }
0xcb: {  	v2 =	vadd.f32 v5, v2;
	_ =	sdelay $0x1  }
0xcc: {  	v2 =	vadd.f32 v3, v2  }
0xcd: {  	s28 =	sadd.s32 $0x40, s28;
	s25 =	sadd.s32 $0x200, s25;
	s0 =	sand.u32 $0xC0, s24;
	v3 =	vand.u32 $0xFFFF, v4  }
0xce: {  	s11 =	sand.u32 $0x300, s28;
	s9 =	sand.u32 $0x1C00, s25;
	s1 =	sadd.s32 $0xFFFFFFE0, s28  }
0xcf: {  	s16 =	sshrl.u32 s0, $0x1;
	s12 =	sand.u32 $0x40, s1;
	s1 =	sand.u32 $0x300, s1  }
0xd0: {  	s30 =	sadd.s32 s9, s22;
	s0 =	sshrl.u32 s1, $0x1;
	s1 =	sshrl.u32 s11, $0x1;
	v4 =	vand.u32 $0xFFFF0000, v4  }
0xd1: {  	s9 =	sadd.s32 s12, s30;
	s0 =	sadd.s32 s0, s23;
	s1 =	sadd.s32 s1, s23  }
0xd2: {  	s11 =	sadd.s32 s16, s26;
	s26 =	smov.u32 s1;
	[tilespmem:v3+s13+$0x0] =	vst.idx.msk $0xffff, v4  }
0xd3: {  	v3 =	vld [tilespmem:s11+$0x0]  }
0xd4: {  	v4 =	vld.idx.msk [tilespmem:v1+s9+$0x0 ss:$0x1], $0xffff;
	_ =	sdelay $0x3  }
0xd5: {  	v5 =	vand.u32 $0xFFFF, v3;
	v6 =	vshrl.u32 v3, $0x10;
	_ =	sdelay $0x1  }
0xd6: {  	v7 =	vand.u32 $0xFFFF, v4;
	_ =	sdelay $0x1  }
.Ltmp2:
0xd7: {  	(pc) =	sbr.rel @p0 .LBB2_7-.Ltmp2, $4  }
0xd8: {  	v3 =	vld.idx.msk [tilespmem:v5+s14+$0x0], $0xffff  }
0xd9: {  	v5 =	vand.u32 $0xFFFF0000, v4;
	v4 =	vld.idx.msk [tilespmem:v6+s14+$0x0], $0xffff  }
0xda: {  	[tilespmem:v7+s13+$0x0] =	vst.idx.msk $0xffff, v5  }
0xdb: {  	v5 =	vld.idx.msk [tilespmem:v1+s9+$0x10 ss:$0x1], $0xffff  }
0xdc: {  	_ =	sdelay $0x3  }
0xdd: {  	v6 =	vand.u32 $0xFFFF, v5  }
0xde: {  	s1 =	sadd.s32 $0x80, s24  }
0xdf: {  	s9 =	sadd.s32 $0xFFFFFFC0, s1  }
0xe0: {  	s9 =	sand.u32 $0x80, s9  }
0xe1: {  	s9 =	sshrl.u32 s9, $0x1;
	v61 =	vand.u32 $0xFFFF0000, v5  }
0xe2: {  	s28 =	sand.u32 $0x60, s28;
	s0 =	sadd.s32 s9, s0;
	[tilespmem:v6+s13+$0x0] =	vst.idx.msk $0xffff, v61  }
0xe3: {  	s29 =	sadd.s32 s28, s30;
	v5 =	vld [tilespmem:s0+$0x0]  }
0xe4: {  	v6 =	vld.idx.msk [tilespmem:v1+s29+$0x0 ss:$0x1], $0xffff;
	_ =	sdelay $0x3  }
0xe5: {  	v7 =	vand.u32 $0xFFFF, v5  }
0xe6: {  	v5 =	vshrl.u32 v5, $0x10;
	v8 =	vand.u32 $0xFFFF, v6;
	_ =	sdelay $0x3  }
0xe7: {  	v6 =	vand.u32 $0xFFFF0000, v6;
	v7 =	vld.idx.msk [tilespmem:v7+s14+$0x0], $0xffff  }
0xe8: {  	v5 =	vld.idx.msk [tilespmem:v5+s14+$0x0], $0xffff;
	[tilespmem:v8+s13+$0x0] =	vst.idx.msk $0xffff, v6  }
0xe9: {  	v1 =	vld.idx.msk [tilespmem:v1+s29+$0x10 ss:$0x1], $0xffff;
	_ =	sdelay $0x4  }
0xea: {  	v62 =	vand.u32 $0xFFFF, v1;
	_ =	sdelay $0x2  }
0xeb: {  	s30 =	sand.u32 $0xC0, s1  }
0xec: {  	s0 =	sshrl.u32 s30, $0x1;
	v1 =	vand.u32 $0xFFFF0000, v1  }
0xed: {  	s0 =	sadd.s32 s0, s26;
	[tilespmem:v62+s13+$0x0] =	vst.idx.msk $0xffff, v1  }
0xee: {  	v1 =	vld [tilespmem:s0+$0x0];
	_ =	sdelay $0x4  }
0xef: {  	v63 =	vand.u32 $0xFFFF, v1;
	_ =	sdelay $0x1  }
0xf0: {  	v2 =	vadd.f32 v3, v2;
	v1 =	vshrl.u32 v1, $0x10;
	_ =	sdelay $0x1  }
0xf1: {  	v2 =	vadd.f32 v4, v2  }
0xf2: {  	v3 =	vld.idx.msk [tilespmem:v63+s14+$0x0], $0xffff  }
0xf3: {  	v2 =	vadd.f32 v7, v2  }
0xf4: {  	v1 =	vld.idx.msk [tilespmem:v1+s14+$0x0], $0xffff  }
0xf5: {  	s20 =	sadd.s32 $0x1, s20;
	v2 =	vadd.f32 v5, v2  }
0xf6: {  	p0 =	sne.s32 s20, $0x7  }
.Ltmp3:
0xf7: {  	v2 =	vadd.f32 v3, v2;
	(pc) =	sbr.rel @p0 .LBB2_4-.Ltmp3, $4  }
0xf8: {  	_ = 	snop  }
0xf9: {  	s31 =	sshll.u32 s21, $0x4;
	v1 =	vadd.f32 v1, v2  }
0xfa: {  	s0 =	sand.u32 $0x3FFFFFF0, s31  }
0xfb: {  	[tilespmem:s0+$0xC900] =	vst v1  }
0xfc: {  	s0 =	simm.s32 $0x0  }
0xfd: {  	s1 =	simm.s32 $0x0;
	s0 =	sand.u32 $0x1C00, s0  }
0xfe: {  	s9 =	sand.u32 $0x40, s1;
	s11 =	sor.u32 $0x2380, s0  }
0xff: {  	s12 =	sor.u32 s9, s11  }
0x100: {  	v1 =	vld [tilespmem:s12+$0x0];
	_ =	sdelay $0x4  }
0x101: {  	v2 =	vand.u32 $0xFFFF, v1;
	_ =	sdelay $0x3  }
0x102: {  	s0 =	sor.u32 $0x2390, s0;
	v1 =	vand.u32 $0xFFFF0000, v1  }
0x103: {  	s9 =	sor.u32 s9, s0;
	[tilespmem:v2+s14+$0x0] =	vst.idx.msk $0xffff, v1  }
0x104: {  	v1 =	vld [tilespmem:s9+$0x0];
	_ =	sdelay $0x4  }
0x105: {  	v2 =	vand.u32 $0xFFFF, v1;
	_ =	sdelay $0x1  }
0x106: {  	s20 =	simm.s32 $0x0  }
0x107: {  	s1 =	sand.u32 $0x300, s1;
	s9 =	sand.u32 $0x80, s20  }
0x108: {  	s21 =	simm.s32 $0x20;
	s1 =	sor.u32 s9, s1;
	v1 =	vand.u32 $0xFFFF0000, v1  }
0x109: {  	s22 =	sand.u32 $0x60, s21;
	s1 =	sshrl.u32 s1, $0x1;
	[tilespmem:v2+s14+$0x0] =	vst.idx.msk $0xffff, v1  }
0x10a: {  	s11 =	sor.u32 s22, s11;
	v1 =	vld [tilespmem:s1+$0x5C00]  }
0x10b: {  	v2 =	vld [tilespmem:s11+$0x0];
	_ =	sdelay $0x3  }
0x10c: {  	v3 =	vand.u32 $0xFFFF, v1  }
0x10d: {  	v1 =	vshrl.u32 v1, $0x10;
	v4 =	vand.u32 $0xFFFF, v2;
	_ =	sdelay $0x3  }
0x10e: {  	v2 =	vand.u32 $0xFFFF0000, v2;
	v3 =	vld.idx.msk [tilespmem:v3+s13+$0x0], $0xffff  }
0x10f: {  	s0 =	sor.u32 s22, s0;
	v1 =	vld.idx.msk [tilespmem:v1+s13+$0x0], $0xffff;
	[tilespmem:v4+s14+$0x0] =	vst.idx.msk $0xffff, v2  }
0x110: {  	v2 =	vld [tilespmem:s0+$0x0];
	_ =	sdelay $0x4  }
0x111: {  	v4 =	vand.u32 $0xFFFF, v2;
	_ =	sdelay $0x1  }
0x112: {  	s23 =	simm.s32 $0x40  }
0x113: {  	s19 =	simm.s32 $0x200;
	s24 =	sand.u32 $0x300, s21;
	s0 =	sand.u32 $0xC0, s23  }
0x114: {  	s25 =	simm.s32 $0x40;
	s26 =	sand.u32 $0x1C00, s19;
	s0 =	sor.u32 s0, s24;
	v2 =	vand.u32 $0xFFFF0000, v2  }
0x115: {  	s28 =	sand.u32 $0x40, s25;
	s23 =	sor.u32 $0x2380, s26;
	s0 =	sshrl.u32 s0, $0x1;
	[tilespmem:v4+s14+$0x0] =	vst.idx.msk $0xffff, v2  }
0x116: {  	s29 =	sor.u32 s28, s23;
	v2 =	vld [tilespmem:s0+$0x5C00]  }
0x117: {  	v4 =	vld [tilespmem:s29+$0x0];
	_ =	sdelay $0x3  }
0x118: {  	v5 =	vand.u32 $0xFFFF, v2  }
0x119: {  	v2 =	vshrl.u32 v2, $0x10;
	v6 =	vand.u32 $0xFFFF, v4  }
0x11a: {  	v7 =	vimm.f32 $0.0e+00  }
0x11b: {  	v3 =	vadd.f32 v3, v7;
	_ =	sdelay $0x1  }
0x11c: {  	s24 =	sor.u32 $0x2390, s26;
	v7 =	vadd.f32 v1, v3;
	v3 =	vand.u32 $0xFFFF0000, v4;
	v5 =	vld.idx.msk [tilespmem:v5+s13+$0x0], $0xffff  }
0x11d: {  	s9 =	sor.u32 s28, s24;
	v1 =	vld.idx.msk [tilespmem:v2+s13+$0x0], $0xffff;
	[tilespmem:v6+s14+$0x0] =	vst.idx.msk $0xffff, v3  }
0x11e: {  	v3 =	vld [tilespmem:s9+$0x0]  }
0x11f: {  	s30 =	simm.s32 $0x80  }
0x120: {  	s31 =	sand.u32 $0x80, s30;
	s21 =	simm.s32 $0x60;
	s0 =	sand.u32 $0x300, s25  }
0x121: {  	s22 =	simm.s32 $0x2;
	s20 =	simm.s32 $0xC0;
	s0 =	sor.u32 s31, s0;
	v2 =	vadd.f32 v5, v7  }
.LBB2_10:
0x122: {  	s22 =	sadd.s32 $0x2, s22  }
0x123: {  	p0 =	slt.u32 s22, $0x1E;
	v4 =	vand.u32 $0xFFFF, v3;
	v1 =	vadd.f32 v1, v2;
	_ =	sdelay $0x3  }
0x124: {  	v2 =	vand.u32 $0xFFFF0000, v3  }
0x125: {  	s0 =	sshrl.u32 s0, $0x1;
	[tilespmem:v4+s14+$0x0] =	vst.idx.msk $0xffff, v2  }
0x126: {  	v2 =	vld [tilespmem:s0+$0x5C00];
	s0 =	sand.u32 $0x60, s21  }
0x127: {  	s1 =	sor.u32 s0, s23  }
0x128: {  	v3 =	vld [tilespmem:s1+$0x0];
	_ =	sdelay $0x2  }
0x129: {  	v4 =	vand.u32 $0xFFFF, v2;
	v2 =	vshrl.u32 v2, $0x10;
	_ =	sdelay $0x1  }
0x12a: {  	v5 =	vand.u32 $0xFFFF, v3;
	_ =	sdelay $0x2  }
0x12b: {  	v4 =	vld.idx.msk [tilespmem:v4+s13+$0x0], $0xffff  }
0x12c: {  	v3 =	vand.u32 $0xFFFF0000, v3;
	v2 =	vld.idx.msk [tilespmem:v2+s13+$0x0], $0xffff  }
0x12d: {  	s0 =	sor.u32 s0, s24;
	[tilespmem:v5+s14+$0x0] =	vst.idx.msk $0xffff, v3  }
0x12e: {  	v3 =	vld [tilespmem:s0+$0x0];
	_ =	sdelay $0x2  }
0x12f: {  	v1 =	vadd.f32 v4, v1;
	_ =	sdelay $0x1  }
0x130: {  	v2 =	vadd.f32 v2, v1;
	v1 =	vand.u32 $0xFFFF, v3;
	_ =	sdelay $0x1  }
0x131: {  	s19 =	sadd.s32 $0x200, s19  }
0x132: {  	s1 =	sand.u32 $0xC0, s20;
	s20 =	sadd.s32 $0x80, s20;
	s0 =	sand.u32 $0x300, s21  }
0x133: {  	s9 =	sadd.s32 $0xFFFFFFC0, s20;
	s21 =	sadd.s32 $0x40, s21;
	s0 =	sor.u32 s1, s0;
	v3 =	vand.u32 $0xFFFF0000, v3  }
0x134: {  	s11 =	sand.u32 $0x1C00, s19;
	s1 =	sadd.s32 $0xFFFFFFE0, s21;
	s0 =	sshrl.u32 s0, $0x1;
	[tilespmem:v1+s14+$0x0] =	vst.idx.msk $0xffff, v3  }
0x135: {  	s23 =	sor.u32 $0x2380, s11;
	s12 =	sand.u32 $0x40, s1;
	s1 =	sand.u32 $0x300, s1;
	v1 =	vld [tilespmem:s0+$0x5C00]  }
0x136: {  	s9 =	sand.u32 $0x80, s9;
	s0 =	sor.u32 s12, s23  }
0x137: {  	v3 =	vld [tilespmem:s0+$0x0];
	s0 =	sor.u32 s9, s1;
	_ =	sdelay $0x2  }
0x138: {  	v4 =	vand.u32 $0xFFFF, v1;
	v1 =	vshrl.u32 v1, $0x10;
	_ =	sdelay $0x1  }
0x139: {  	v5 =	vand.u32 $0xFFFF, v3;
	_ =	sdelay $0x2  }
0x13a: {  	v4 =	vld.idx.msk [tilespmem:v4+s13+$0x0], $0xffff  }
0x13b: {  	s24 =	sor.u32 $0x2390, s11;
	v3 =	vand.u32 $0xFFFF0000, v3;
	v1 =	vld.idx.msk [tilespmem:v1+s13+$0x0], $0xffff  }
.Ltmp4:
0x13c: {  	s1 =	sor.u32 s12, s24;
	[tilespmem:v5+s14+$0x0] =	vst.idx.msk $0xffff, v3;
	(pc) =	sbr.rel @p0 .LBB2_10-.Ltmp4, $2  }
0x13d: {  	v3 =	vld [tilespmem:s1+$0x0];
	_ =	sdelay $0x2  }
0x13e: {  	v2 =	vadd.f32 v4, v2  }
0x13f: {  	_ = 	snop  }
0x140: {  	v4 =	vand.u32 $0xFFFF, v3;
	_ =	sdelay $0x3  }
0x141: {  	v3 =	vand.u32 $0xFFFF0000, v3  }
0x142: {  	s0 =	sshrl.u32 s0, $0x1;
	s26 =	sand.u32 $0x60, s21;
	[tilespmem:v4+s14+$0x0] =	vst.idx.msk $0xffff, v3  }
0x143: {  	s1 =	sor.u32 s26, s23;
	v3 =	vld [tilespmem:s0+$0x5C00]  }
0x144: {  	v4 =	vld [tilespmem:s1+$0x0];
	_ =	sdelay $0x3  }
0x145: {  	v5 =	vand.u32 $0xFFFF, v3  }
0x146: {  	v3 =	vshrl.u32 v3, $0x10;
	v6 =	vand.u32 $0xFFFF, v4;
	_ =	sdelay $0x3  }
0x147: {  	v4 =	vand.u32 $0xFFFF0000, v4;
	v5 =	vld.idx.msk [tilespmem:v5+s13+$0x0], $0xffff  }
0x148: {  	s0 =	sor.u32 s26, s24;
	v3 =	vld.idx.msk [tilespmem:v3+s13+$0x0], $0xffff;
	[tilespmem:v6+s14+$0x0] =	vst.idx.msk $0xffff, v4  }
0x149: {  	v4 =	vld [tilespmem:s0+$0x0];
	_ =	sdelay $0x4  }
0x14a: {  	v6 =	vand.u32 $0xFFFF, v4;
	_ =	sdelay $0x2  }
0x14b: {  	s28 =	sand.u32 $0x300, s21;
	s29 =	sand.u32 $0xC0, s20  }
0x14c: {  	s0 =	sor.u32 s29, s28;
	v4 =	vand.u32 $0xFFFF0000, v4  }
0x14d: {  	s0 =	sshrl.u32 s0, $0x1;
	[tilespmem:v6+s14+$0x0] =	vst.idx.msk $0xffff, v4  }
0x14e: {  	v4 =	vld [tilespmem:s0+$0x5C00];
	_ =	sdelay $0x4  }
0x14f: {  	v6 =	vand.u32 $0xFFFF, v4;
	_ =	sdelay $0x1  }
0x150: {  	v4 =	vshrl.u32 v4, $0x10;
	_ =	sdelay $0x1  }
0x151: {  	v1 =	vadd.f32 v1, v2  }
0x152: {  	v2 =	vld.idx.msk [tilespmem:v6+s13+$0x0], $0xffff  }
0x153: {  	v1 =	vadd.f32 v5, v1  }
0x154: {  	v4 =	vld.idx.msk [tilespmem:v4+s13+$0x0], $0xffff  }
0x155: {  	v1 =	vadd.f32 v3, v1;
	_ =	sdelay $0x1  }
0x156: {  	v1 =	vadd.f32 v2, v1;
	_ =	sdelay $0x1  }
0x157: {  	v1 =	vadd.f32 v4, v1  }
0x158: {  	s30 =	simm.s32 $0x0  }
0x159: {  	s0 =	sand.u32 $0x180, s30;
	[tilespmem:$0xC9E0] =	vst v1  }
0x15a: {  	v1 =	vld [tilespmem:s0+$0x5E00];
	_ =	sdelay $0x3  }
0x15b: {  	v2 =	vld [tilespmem:s0+$0x5E20]  }
0x15c: {  	v3 =	vand.u32 $0xFFFF, v1;
	_ =	sdelay $0x1  }
0x15d: {  	v1 =	vshrl.u32 v1, $0x10  }
0x15e: {  	v4 =	vld [tilespmem:s0+$0x5E40]  }
0x15f: {  	v5 =	vand.u32 $0xFFFF, v2  }
0x160: {  	v3 =	vld.idx.msk [tilespmem:v3+s14+$0x0], $0xffff  }
0x161: {  	s31 =	simm.s32 $0x40;
	v6 =	vld [tilespmem:s0+$0x5E60];
	v2 =	vshrl.u32 v2, $0x10  }
0x162: {  	s0 =	sand.u32 $0x180, s31;
	v1 =	vld.idx.msk [tilespmem:v1+s14+$0x0], $0xffff  }
0x163: {  	v9 =	vld [tilespmem:s0+$0x5E00];
	v7 =	vand.u32 $0xFFFF, v4  }
0x164: {  	v8 =	vimm.f32 $0.0e+00;
	v5 =	vld.idx.msk [tilespmem:v5+s14+$0x0], $0xffff  }
0x165: {  	v4 =	vshrl.u32 v4, $0x10;
	v3 =	vadd.f32 v3, v8  }
0x166: {  	v2 =	vld.idx.msk [tilespmem:v2+s14+$0x0], $0xffff;
	v8 =	vand.u32 $0xFFFF, v6  }
0x167: {  	v6 =	vshrl.u32 v6, $0x10;
	v1 =	vadd.f32 v1, v3  }
0x168: {  	v3 =	vld.idx.msk [tilespmem:v7+s14+$0x0], $0xffff  }
0x169: {  	v10 =	vld [tilespmem:s0+$0x5E20];
	v7 =	vand.u32 $0xFFFF, v9;
	v1 =	vadd.f32 v5, v1  }
0x16a: {  	v5 =	vld.idx.msk [tilespmem:v4+s14+$0x0], $0xffff  }
0x16b: {  	v8 =	vld.idx.msk [tilespmem:v8+s14+$0x0], $0xffff;
	v1 =	vadd.f32 v2, v1  }
0x16c: {  	v9 =	vshrl.u32 v9, $0x10;
	v4 =	vld.idx.msk [tilespmem:v6+s14+$0x0], $0xffff  }
0x16d: {  	v2 =	vld [tilespmem:s0+$0x5E40];
	v1 =	vadd.f32 v3, v1  }
0x16e: {  	v3 =	vld.idx.msk [tilespmem:v7+s14+$0x0], $0xffff;
	v7 =	vand.u32 $0xFFFF, v10  }
0x16f: {  	v11 =	vadd.f32 v5, v1  }
0x170: {  	v6 =	vshrl.u32 v10, $0x10;
	v1 =	vld [tilespmem:s0+$0x5E60]  }
0x171: {  	s19 =	simm.s32 $0x4;
	s20 =	simm.s32 $0x100;
	s0 =	simm.s32 $0x0;
	v5 =	vld.idx.msk [tilespmem:v9+s14+$0x0], $0xffff;
	v8 =	vadd.f32 v8, v11  }
.LBB2_12:
0x172: {  	s1 =	sshrl.u32 s20, $0x1;
	v9 =	vand.u32 $0xFFFF, v2  }
0x173: {  	s19 =	sadd.s32 $0x4, s19;
	s0 =	sadd.s32 $0x1, s0;
	s1 =	sand.u32 $0x180, s1;
	v7 =	vld.idx.msk [tilespmem:v7+s14+$0x0], $0xffff;
	v4 =	vadd.f32 v4, v8  }
0x174: {  	v2 =	vshrl.u32 v2, $0x10;
	p0 =	slt.u32 s19, $0x1C;
	v8 =	vld [tilespmem:s1+$0x5E00]  }
0x175: {  	v3 =	vadd.f32 v3, v4;
	v4 =	vld.idx.msk [tilespmem:v6+s14+$0x0], $0xffff  }
0x176: {  	v6 =	vand.u32 $0xFFFF, v1  }
0x177: {  	v3 =	vadd.f32 v5, v3;
	v5 =	vld.idx.msk [tilespmem:v9+s14+$0x0], $0xffff  }
0x178: {  	v1 =	vshrl.u32 v1, $0x10;
	v9 =	vld [tilespmem:s1+$0x5E20]  }
0x179: {  	v3 =	vadd.f32 v7, v3;
	v10 =	vld.idx.msk [tilespmem:v2+s14+$0x0], $0xffff  }
0x17a: {  	v11 =	vand.u32 $0xFFFF, v8  }
0x17b: {  	v3 =	vadd.f32 v4, v3;
	v12 =	vld.idx.msk [tilespmem:v6+s14+$0x0], $0xffff  }
0x17c: {  	v8 =	vshrl.u32 v8, $0x10;
	v2 =	vld [tilespmem:s1+$0x5E40]  }
.Ltmp5:
0x17d: {  	v5 =	vadd.f32 v5, v3;
	v4 =	vld.idx.msk [tilespmem:v1+s14+$0x0], $0xffff;
	(pc) =	sbr.rel @p0 .LBB2_12-.Ltmp5, $4  }
0x17e: {  	v7 =	vand.u32 $0xFFFF, v9  }
0x17f: {  	v3 =	vld.idx.msk [tilespmem:v11+s14+$0x0], $0xffff;
	v10 =	vadd.f32 v10, v5  }
0x180: {  	v6 =	vshrl.u32 v9, $0x10;
	v1 =	vld [tilespmem:s1+$0x5E60]  }
0x181: {  	s20 =	sadd.s32 $0x80, s20;
	v5 =	vld.idx.msk [tilespmem:v8+s14+$0x0], $0xffff;
	v8 =	vadd.f32 v12, v10  }
0x182: {  	_ =	sdelay $0x2  }
0x183: {  	v9 =	vand.u32 $0xFFFF, v2;
	v4 =	vadd.f32 v4, v8  }
0x184: {  	v7 =	vld.idx.msk [tilespmem:v7+s14+$0x0], $0xffff  }
0x185: {  	v2 =	vshrl.u32 v2, $0x10;
	v3 =	vadd.f32 v3, v4  }
0x186: {  	v60 =	vld.idx.msk [tilespmem:v6+s14+$0x0], $0xffff  }
0x187: {  	v61 =	vand.u32 $0xFFFF, v1;
	v3 =	vadd.f32 v5, v3  }
0x188: {  	v62 =	vld.idx.msk [tilespmem:v9+s14+$0x0], $0xffff  }
0x189: {  	v1 =	vshrl.u32 v1, $0x10;
	v3 =	vadd.f32 v7, v3  }
0x18a: {  	v2 =	vld.idx.msk [tilespmem:v2+s14+$0x0], $0xffff  }
0x18b: {  	v3 =	vadd.f32 v60, v3  }
0x18c: {  	v63 =	vld.idx.msk [tilespmem:v61+s14+$0x0], $0xffff  }
0x18d: {  	v3 =	vadd.f32 v62, v3  }
0x18e: {  	v1 =	vld.idx.msk [tilespmem:v1+s14+$0x0], $0xffff  }
0x18f: {  	v2 =	vadd.f32 v2, v3;
	_ =	sdelay $0x1  }
0x190: {  	v2 =	vadd.f32 v63, v2;
	_ =	sdelay $0x1  }
0x191: {  	v1 =	vadd.f32 v1, v2;
	_ =	sdelay $0x1  }
0x192: {  	[tilespmem:$0xC9F0] =	vst v1  }
0x193: {  	_ =	swait.ge [sflag:s15], $0x4000  }
0x194: {  	[sflag:s15] =	ssyncset.done $0x0  }
0x195: {  	[sflag:s15] =	ssyncadd.s32 $0xFFFFC000  }
0x196: {  	_ =	swait.ge [sflag:s15], $0x2000  }
0x197: {  	s0 =	simm.s32 $0xFFFFFFFC;
	s19 =	simm.s32 $0x0;
	[sflag:s15] =	ssyncset.done $0x0  }
0x198: {  	s20 =	simm.s32 $0x0;
	s21 =	simm.s32 $0x0;
	[sflag:s15] =	ssyncadd.s32 $0xFFFFE000  }
.LBB2_14:
0x199: {  	s1 =	sand.u32 $0x40, s20;
	s9 =	sand.u32 $0x1C00, s21  }
0x19a: {  	s1 =	sor.u32 s1, s9  }
0x19b: {  	v1 =	vld [tilespmem:s1+$0x6000];
	_ =	sdelay $0x4  }
0x19c: {  	v2 =	vand.u32 $0xFFFF, v1;
	_ =	sdelay $0x3  }
0x19d: {  	v1 =	vand.u32 $0xFFFF0000, v1  }
0x19e: {  	[tilespmem:v2+s13+$0x0] =	vst.idx.msk $0xffff, v1  }
0x19f: {  	v1 =	vld [tilespmem:s1+$0x6010];
	_ =	sdelay $0x4  }
0x1a0: {  	v2 =	vand.u32 $0xFFFF, v1;
	_ =	sdelay $0x3  }
0x1a1: {  	v1 =	vand.u32 $0xFFFF0000, v1  }
0x1a2: {  	[tilespmem:v2+s13+$0x0] =	vst.idx.msk $0xffff, v1  }
0x1a3: {  	v1 =	vld [tilespmem:s1+$0x6020];
	_ =	sdelay $0x4  }
0x1a4: {  	v2 =	vand.u32 $0xFFFF, v1;
	_ =	sdelay $0x3  }
0x1a5: {  	v1 =	vand.u32 $0xFFFF0000, v1  }
0x1a6: {  	[tilespmem:v2+s13+$0x0] =	vst.idx.msk $0xffff, v1  }
0x1a7: {  	v1 =	vld [tilespmem:s1+$0x6030];
	_ =	sdelay $0x3  }
0x1a8: {  	s0 =	sadd.s32 $0x4, s0  }
0x1a9: {  	p0 =	slt.u32 s0, $0x3C;
	v2 =	vand.u32 $0xFFFF, v1  }
.Ltmp6:
0x1aa: {  	_ = 	snop;
	(pc) =	sbr.rel @p0 .LBB2_14-.Ltmp6, $3  }
0x1ab: {  	_ =	sdelay $0x1  }
0x1ac: {  	v1 =	vand.u32 $0xFFFF0000, v1  }
0x1ad: {  	s21 =	sadd.s32 $0x200, s21;
	s20 =	sadd.s32 $0x40, s20;
	[tilespmem:v2+s13+$0x0] =	vst.idx.msk $0xffff, v1  }
.LBB2_15:
0x1ae: {  	s20 =	sshllo.u32 s19, $0x1  }
0x1af: {  	s0 =	sshll.u32 s20, $0x7  }
0x1b0: {  	s0 =	sand.u32 $0x380, s0  }
0x1b1: {  	s1 =	sshll.u32 s19, $0xB;
	v1 =	vmov s0  }
0x1b2: {  	s9 =	simm.s32 $0x0;
	s22 =	sand.u32 $0x2000, s1  }
0x1b3: {  	s23 =	simm.s32 $0x0;
	s9 =	sand.u32 $0x1C00, s9;
	s21 =	sadd.s32 $0x6000, s22  }
0x1b4: {  	s11 =	sand.u32 $0x40, s23;
	s9 =	sadd.s32 s9, s21  }
0x1b5: {  	s11 =	sadd.s32 s11, s9  }
0x1b6: {  	v2 =	vld.idx.msk [tilespmem:v1+s11+$0x0 ss:$0x1], $0xffff;
	_ =	sdelay $0x4  }
0x1b7: {  	v3 =	vand.u32 $0xFFFF, v2;
	_ =	sdelay $0x3  }
0x1b8: {  	v2 =	vand.u32 $0xFFFF0000, v2  }
0x1b9: {  	[tilespmem:v3+s14+$0x0] =	vst.idx.msk $0xffff, v2  }
0x1ba: {  	v2 =	vld.idx.msk [tilespmem:v1+s11+$0x10 ss:$0x1], $0xffff;
	_ =	sdelay $0x4  }
0x1bb: {  	v3 =	vand.u32 $0xFFFF, v2;
	_ =	sdelay $0x1  }
0x1bc: {  	s24 =	simm.s32 $0x0;
	s1 =	sshrl.u32 s1, $0x1;
	s0 =	sand.u32 $0x300, s23  }
0x1bd: {  	s25 =	sand.u32 $0x80, s24;
	s22 =	sadd.s32 $0xA000, s1;
	s0 =	sshrl.u32 s0, $0x1  }
0x1be: {  	s26 =	simm.s32 $0x20;
	s1 =	sshrl.u32 s25, $0x1;
	s0 =	sadd.s32 s0, s22;
	v2 =	vand.u32 $0xFFFF0000, v2  }
0x1bf: {  	s31 =	sand.u32 $0x60, s26;
	s0 =	sadd.s32 s1, s0;
	[tilespmem:v3+s14+$0x0] =	vst.idx.msk $0xffff, v2  }
0x1c0: {  	s1 =	sadd.s32 s31, s9;
	v2 =	vld [tilespmem:s0+$0x0]  }
0x1c1: {  	v3 =	vld.idx.msk [tilespmem:v1+s1+$0x0 ss:$0x1], $0xffff;
	_ =	sdelay $0x3  }
0x1c2: {  	v4 =	vand.u32 $0xFFFF, v2  }
0x1c3: {  	v2 =	vshrl.u32 v2, $0x10;
	v5 =	vand.u32 $0xFFFF, v3;
	_ =	sdelay $0x3  }
0x1c4: {  	v3 =	vand.u32 $0xFFFF0000, v3;
	v4 =	vld.idx.msk [tilespmem:v4+s13+$0x0], $0xffff  }
0x1c5: {  	v2 =	vld.idx.msk [tilespmem:v2+s13+$0x0], $0xffff;
	[tilespmem:v5+s14+$0x0] =	vst.idx.msk $0xffff, v3  }
0x1c6: {  	v3 =	vld.idx.msk [tilespmem:v1+s1+$0x10 ss:$0x1], $0xffff;
	_ =	sdelay $0x4  }
0x1c7: {  	v5 =	vand.u32 $0xFFFF, v3;
	_ =	sdelay $0x1  }
0x1c8: {  	s12 =	simm.s32 $0x40;
	s24 =	simm.s32 $0x40;
	s9 =	sand.u32 $0x300, s26  }
0x1c9: {  	s25 =	simm.s32 $0x200;
	s11 =	sand.u32 $0xC0, s24;
	s0 =	sshrl.u32 s9, $0x1  }
0x1ca: {  	s16 =	sand.u32 $0x1C00, s25;
	s0 =	sadd.s32 s0, s22;
	s1 =	sshrl.u32 s11, $0x1;
	v3 =	vand.u32 $0xFFFF0000, v3  }
0x1cb: {  	s23 =	sand.u32 $0x40, s12;
	s30 =	sadd.s32 s16, s21;
	s0 =	sadd.s32 s1, s0;
	[tilespmem:v5+s14+$0x0] =	vst.idx.msk $0xffff, v3  }
0x1cc: {  	s1 =	sadd.s32 s23, s30;
	v3 =	vld [tilespmem:s0+$0x0]  }
0x1cd: {  	v5 =	vld.idx.msk [tilespmem:v1+s1+$0x0 ss:$0x1], $0xffff;
	_ =	sdelay $0x3  }
0x1ce: {  	v6 =	vand.u32 $0xFFFF, v3  }
0x1cf: {  	v7 =	vshrl.u32 v3, $0x10;
	v8 =	vand.u32 $0xFFFF, v5;
	_ =	sdelay $0x2  }
0x1d0: {  	v9 =	vimm.f32 $0.0e+00;
	s28 =	simm.s32 $0x60  }
0x1d1: {  	s26 =	sand.u32 $0x300, s28;
	s9 =	sand.u32 $0x300, s12;
	v5 =	vand.u32 $0xFFFF0000, v5;
	v3 =	vld.idx.msk [tilespmem:v6+s13+$0x0], $0xffff;
	v6 =	vadd.f32 v4, v9  }
0x1d2: {  	s29 =	simm.s32 $0x2;
	s31 =	sshrl.u32 s26, $0x1;
	s9 =	sshrl.u32 s9, $0x1;
	v4 =	vld.idx.msk [tilespmem:v7+s13+$0x0], $0xffff;
	[tilespmem:v8+s14+$0x0] =	vst.idx.msk $0xffff, v5  }
0x1d3: {  	s26 =	sadd.s32 s31, s22;
	s23 =	sshll.u32 s19, $0x1;
	s0 =	sadd.s32 s9, s22;
	v5 =	vld.idx.msk [tilespmem:v1+s1+$0x10 ss:$0x1], $0xffff;
	v2 =	vadd.f32 v2, v6  }
.LBB2_16:
0x1d4: {  	s29 =	sadd.s32 $0x2, s29;
	s24 =	sadd.s32 $0x80, s24  }
0x1d5: {  	p0 =	slt.u32 s29, $0x1E  }
0x1d6: {  	v2 =	vadd.f32 v3, v2;
	_ =	sdelay $0x1  }
0x1d7: {  	v2 =	vadd.f32 v4, v2  }
0x1d8: {  	v3 =	vand.u32 $0xFFFF, v5  }
0x1d9: {  	s1 =	sadd.s32 $0xFFFFFFC0, s24  }
0x1da: {  	s1 =	sand.u32 $0x80, s1  }
0x1db: {  	s9 =	sand.u32 $0x60, s28;
	s1 =	sshrl.u32 s1, $0x1  }
0x1dc: {  	v4 =	vand.u32 $0xFFFF0000, v5;
	s0 =	sadd.s32 s1, s0;
	s1 =	sadd.s32 s9, s30  }
0x1dd: {  	[tilespmem:v3+s14+$0x0] =	vst.idx.msk $0xffff, v4  }
0x1de: {  	v3 =	vld [tilespmem:s0+$0x0]  }
0x1df: {  	v4 =	vld.idx.msk [tilespmem:v1+s1+$0x0 ss:$0x1], $0xffff;
	_ =	sdelay $0x3  }
0x1e0: {  	v5 =	vand.u32 $0xFFFF, v3;
	v3 =	vshrl.u32 v3, $0x10;
	_ =	sdelay $0x1  }
0x1e1: {  	v6 =	vand.u32 $0xFFFF, v4;
	_ =	sdelay $0x2  }
0x1e2: {  	v4 =	vand.u32 $0xFFFF0000, v4;
	v5 =	vld.idx.msk [tilespmem:v5+s13+$0x0], $0xffff  }
0x1e3: {  	v3 =	vld.idx.msk [tilespmem:v3+s13+$0x0], $0xffff  }
0x1e4: {  	[tilespmem:v6+s14+$0x0] =	vst.idx.msk $0xffff, v4  }
0x1e5: {  	v4 =	vld.idx.msk [tilespmem:v1+s1+$0x10 ss:$0x1], $0xffff;
	_ =	sdelay $0x2  }
0x1e6: {  	v2 =	vadd.f32 v5, v2;
	_ =	sdelay $0x1  }
0x1e7: {  	v2 =	vadd.f32 v3, v2  }
0x1e8: {  	s28 =	sadd.s32 $0x40, s28;
	s25 =	sadd.s32 $0x200, s25;
	s0 =	sand.u32 $0xC0, s24;
	v3 =	vand.u32 $0xFFFF, v4  }
0x1e9: {  	s11 =	sand.u32 $0x300, s28;
	s9 =	sand.u32 $0x1C00, s25;
	s1 =	sadd.s32 $0xFFFFFFE0, s28  }
0x1ea: {  	s16 =	sshrl.u32 s0, $0x1;
	s12 =	sand.u32 $0x40, s1;
	s1 =	sand.u32 $0x300, s1  }
0x1eb: {  	s30 =	sadd.s32 s9, s21;
	s0 =	sshrl.u32 s1, $0x1;
	s1 =	sshrl.u32 s11, $0x1;
	v4 =	vand.u32 $0xFFFF0000, v4  }
0x1ec: {  	s9 =	sadd.s32 s12, s30;
	s0 =	sadd.s32 s0, s22;
	s1 =	sadd.s32 s1, s22  }
0x1ed: {  	s11 =	sadd.s32 s16, s26;
	s26 =	smov.u32 s1;
	[tilespmem:v3+s14+$0x0] =	vst.idx.msk $0xffff, v4  }
0x1ee: {  	v3 =	vld [tilespmem:s11+$0x0]  }
0x1ef: {  	v4 =	vld.idx.msk [tilespmem:v1+s9+$0x0 ss:$0x1], $0xffff;
	_ =	sdelay $0x3  }
0x1f0: {  	v5 =	vand.u32 $0xFFFF, v3;
	v6 =	vshrl.u32 v3, $0x10;
	_ =	sdelay $0x1  }
0x1f1: {  	v7 =	vand.u32 $0xFFFF, v4;
	_ =	sdelay $0x1  }
.Ltmp7:
0x1f2: {  	(pc) =	sbr.rel @p0 .LBB2_16-.Ltmp7, $4  }
0x1f3: {  	v3 =	vld.idx.msk [tilespmem:v5+s13+$0x0], $0xffff  }
0x1f4: {  	v5 =	vand.u32 $0xFFFF0000, v4;
	v4 =	vld.idx.msk [tilespmem:v6+s13+$0x0], $0xffff  }
0x1f5: {  	[tilespmem:v7+s14+$0x0] =	vst.idx.msk $0xffff, v5  }
0x1f6: {  	v5 =	vld.idx.msk [tilespmem:v1+s9+$0x10 ss:$0x1], $0xffff  }
0x1f7: {  	_ =	sdelay $0x3  }
0x1f8: {  	v6 =	vand.u32 $0xFFFF, v5  }
0x1f9: {  	s1 =	sadd.s32 $0x80, s24  }
0x1fa: {  	s9 =	sadd.s32 $0xFFFFFFC0, s1  }
0x1fb: {  	s9 =	sand.u32 $0x80, s9  }
0x1fc: {  	s9 =	sshrl.u32 s9, $0x1;
	v5 =	vand.u32 $0xFFFF0000, v5  }
0x1fd: {  	s24 =	sand.u32 $0x60, s28;
	s0 =	sadd.s32 s9, s0;
	[tilespmem:v6+s14+$0x0] =	vst.idx.msk $0xffff, v5  }
0x1fe: {  	s25 =	sadd.s32 s24, s30;
	v5 =	vld [tilespmem:s0+$0x0]  }
0x1ff: {  	v6 =	vld.idx.msk [tilespmem:v1+s25+$0x0 ss:$0x1], $0xffff;
	_ =	sdelay $0x3  }
0x200: {  	v7 =	vand.u32 $0xFFFF, v5  }
0x201: {  	v5 =	vshrl.u32 v5, $0x10;
	v8 =	vand.u32 $0xFFFF, v6;
	_ =	sdelay $0x3  }
0x202: {  	v6 =	vand.u32 $0xFFFF0000, v6;
	v7 =	vld.idx.msk [tilespmem:v7+s13+$0x0], $0xffff  }
0x203: {  	v5 =	vld.idx.msk [tilespmem:v5+s13+$0x0], $0xffff;
	[tilespmem:v8+s14+$0x0] =	vst.idx.msk $0xffff, v6  }
0x204: {  	v1 =	vld.idx.msk [tilespmem:v1+s25+$0x10 ss:$0x1], $0xffff;
	_ =	sdelay $0x4  }
0x205: {  	v6 =	vand.u32 $0xFFFF, v1;
	_ =	sdelay $0x2  }
0x206: {  	s30 =	sand.u32 $0xC0, s1  }
0x207: {  	s0 =	sshrl.u32 s30, $0x1;
	v1 =	vand.u32 $0xFFFF0000, v1  }
0x208: {  	s0 =	sadd.s32 s0, s26;
	[tilespmem:v6+s14+$0x0] =	vst.idx.msk $0xffff, v1  }
0x209: {  	v1 =	vld [tilespmem:s0+$0x0];
	_ =	sdelay $0x4  }
0x20a: {  	v6 =	vand.u32 $0xFFFF, v1;
	_ =	sdelay $0x1  }
0x20b: {  	v2 =	vadd.f32 v3, v2;
	v1 =	vshrl.u32 v1, $0x10;
	_ =	sdelay $0x1  }
0x20c: {  	v2 =	vadd.f32 v4, v2  }
0x20d: {  	v3 =	vld.idx.msk [tilespmem:v6+s13+$0x0], $0xffff  }
0x20e: {  	v2 =	vadd.f32 v7, v2  }
0x20f: {  	s31 =	sadd.s32 $0x2, s23;
	v4 =	vld.idx.msk [tilespmem:v1+s13+$0x0], $0xffff  }
0x210: {  	s9 =	sshll.u32 s31, $0x7;
	v1 =	vadd.f32 v5, v2  }
0x211: {  	s1 =	sand.u32 $0x300, s9  }
0x212: {  	s0 =	sshll.u32 s31, $0xA;
	v2 =	vadd.f32 v3, v1;
	v1 =	vmov s1  }
0x213: {  	s21 =	sshll.u32 s19, $0x5;
	s11 =	simm.s32 $0x0;
	s0 =	sand.u32 $0x6000, s0  }
0x214: {  	s12 =	simm.s32 $0x0;
	s22 =	sadd.s32 $0x6000, s0;
	s1 =	sand.u32 $0x1C00, s11;
	v2 =	vadd.f32 v4, v2  }
0x215: {  	s16 =	sand.u32 $0xE0, s21;
	s11 =	sand.u32 $0x40, s12;
	s1 =	sadd.s32 s1, s22  }
0x216: {  	s23 =	sadd.s32 s11, s1;
	[tilespmem:s16+$0xCA00] =	vst v2  }
0x217: {  	v2 =	vld.idx.msk [tilespmem:v1+s23+$0x0 ss:$0x1], $0xffff;
	_ =	sdelay $0x4  }
0x218: {  	v3 =	vand.u32 $0xFFFF, v2;
	_ =	sdelay $0x3  }
0x219: {  	v2 =	vand.u32 $0xFFFF0000, v2  }
0x21a: {  	[tilespmem:v3+s13+$0x0] =	vst.idx.msk $0xffff, v2  }
0x21b: {  	v2 =	vld.idx.msk [tilespmem:v1+s23+$0x10 ss:$0x1], $0xffff;
	_ =	sdelay $0x4  }
0x21c: {  	v3 =	vand.u32 $0xFFFF, v2  }
0x21d: {  	s24 =	sshll.u32 s20, $0x9  }
0x21e: {  	s9 =	sand.u32 $0x3FFFFE00, s24;
	s25 =	simm.s32 $0x0;
	s0 =	sand.u32 $0x300, s12  }
0x21f: {  	s20 =	sadd.s32 $0xA000, s9;
	s26 =	sand.u32 $0x80, s25;
	s0 =	sshrl.u32 s0, $0x1  }
0x220: {  	s30 =	simm.s32 $0x20;
	s9 =	sshrl.u32 s26, $0x1;
	s0 =	sadd.s32 s0, s20;
	v2 =	vand.u32 $0xFFFF0000, v2  }
0x221: {  	s31 =	sand.u32 $0x60, s30;
	s0 =	sadd.s32 s9, s0;
	[tilespmem:v3+s13+$0x0] =	vst.idx.msk $0xffff, v2  }
0x222: {  	s9 =	sadd.s32 s31, s1;
	v2 =	vld [tilespmem:s0+$0x0]  }
0x223: {  	v3 =	vld.idx.msk [tilespmem:v1+s9+$0x0 ss:$0x1], $0xffff;
	_ =	sdelay $0x3  }
0x224: {  	v4 =	vand.u32 $0xFFFF, v2  }
0x225: {  	v2 =	vshrl.u32 v2, $0x10;
	v5 =	vand.u32 $0xFFFF, v3;
	_ =	sdelay $0x3  }
0x226: {  	v3 =	vand.u32 $0xFFFF0000, v3;
	v4 =	vld.idx.msk [tilespmem:v4+s14+$0x0], $0xffff  }
0x227: {  	v2 =	vld.idx.msk [tilespmem:v2+s14+$0x0], $0xffff;
	[tilespmem:v5+s13+$0x0] =	vst.idx.msk $0xffff, v3  }
0x228: {  	v3 =	vld.idx.msk [tilespmem:v1+s9+$0x10 ss:$0x1], $0xffff;
	_ =	sdelay $0x4  }
0x229: {  	v5 =	vand.u32 $0xFFFF, v3;
	_ =	sdelay $0x1  }
0x22a: {  	s24 =	simm.s32 $0x200;
	s11 =	sand.u32 $0x300, s30;
	s23 =	simm.s32 $0x40  }
0x22b: {  	s25 =	sand.u32 $0x1C00, s24;
	s12 =	sand.u32 $0xC0, s23;
	s0 =	sshrl.u32 s11, $0x1  }
0x22c: {  	s16 =	simm.s32 $0x40;
	s1 =	sshrl.u32 s12, $0x1;
	s0 =	sadd.s32 s0, s20;
	v3 =	vand.u32 $0xFFFF0000, v3  }
0x22d: {  	s29 =	sadd.s32 s25, s22;
	s26 =	sand.u32 $0x40, s16;
	s0 =	sadd.s32 s1, s0;
	[tilespmem:v5+s13+$0x0] =	vst.idx.msk $0xffff, v3  }
0x22e: {  	s1 =	sadd.s32 s26, s29;
	v3 =	vld [tilespmem:s0+$0x0]  }
0x22f: {  	v5 =	vld.idx.msk [tilespmem:v1+s1+$0x0 ss:$0x1], $0xffff;
	_ =	sdelay $0x3  }
0x230: {  	v6 =	vand.u32 $0xFFFF, v3  }
0x231: {  	v7 =	vshrl.u32 v3, $0x10;
	v63 =	vand.u32 $0xFFFF, v5;
	_ =	sdelay $0x2  }
0x232: {  	v9 =	vimm.f32 $0.0e+00;
	s26 =	simm.s32 $0x60  }
0x233: {  	s30 =	sand.u32 $0x300, s26;
	s9 =	sand.u32 $0x300, s16;
	v5 =	vand.u32 $0xFFFF0000, v5;
	v3 =	vld.idx.msk [tilespmem:v6+s14+$0x0], $0xffff;
	v6 =	vadd.f32 v4, v9  }
0x234: {  	s31 =	sshrl.u32 s30, $0x1;
	s9 =	sshrl.u32 s9, $0x1;
	v4 =	vld.idx.msk [tilespmem:v7+s14+$0x0], $0xffff;
	[tilespmem:v63+s13+$0x0] =	vst.idx.msk $0xffff, v5  }
0x235: {  	s28 =	simm.s32 $0x2;
	s25 =	sadd.s32 s31, s20;
	s0 =	sadd.s32 s9, s20;
	v5 =	vld.idx.msk [tilespmem:v1+s1+$0x10 ss:$0x1], $0xffff;
	v2 =	vadd.f32 v2, v6  }
.LBB2_18:
0x236: {  	s28 =	sadd.s32 $0x2, s28;
	s23 =	sadd.s32 $0x80, s23  }
0x237: {  	p0 =	slt.u32 s28, $0x1E  }
0x238: {  	v2 =	vadd.f32 v3, v2;
	_ =	sdelay $0x1  }
0x239: {  	v2 =	vadd.f32 v4, v2  }
0x23a: {  	v3 =	vand.u32 $0xFFFF, v5  }
0x23b: {  	s1 =	sadd.s32 $0xFFFFFFC0, s23  }
0x23c: {  	s1 =	sand.u32 $0x80, s1  }
0x23d: {  	s9 =	sand.u32 $0x60, s26;
	s1 =	sshrl.u32 s1, $0x1  }
0x23e: {  	v4 =	vand.u32 $0xFFFF0000, v5;
	s0 =	sadd.s32 s1, s0;
	s1 =	sadd.s32 s9, s29  }
0x23f: {  	[tilespmem:v3+s13+$0x0] =	vst.idx.msk $0xffff, v4  }
0x240: {  	v3 =	vld [tilespmem:s0+$0x0]  }
0x241: {  	v4 =	vld.idx.msk [tilespmem:v1+s1+$0x0 ss:$0x1], $0xffff;
	_ =	sdelay $0x3  }
0x242: {  	v5 =	vand.u32 $0xFFFF, v3;
	v3 =	vshrl.u32 v3, $0x10;
	_ =	sdelay $0x1  }
0x243: {  	v6 =	vand.u32 $0xFFFF, v4;
	_ =	sdelay $0x2  }
0x244: {  	v4 =	vand.u32 $0xFFFF0000, v4;
	v5 =	vld.idx.msk [tilespmem:v5+s14+$0x0], $0xffff  }
0x245: {  	v3 =	vld.idx.msk [tilespmem:v3+s14+$0x0], $0xffff  }
0x246: {  	[tilespmem:v6+s13+$0x0] =	vst.idx.msk $0xffff, v4  }
0x247: {  	v4 =	vld.idx.msk [tilespmem:v1+s1+$0x10 ss:$0x1], $0xffff;
	_ =	sdelay $0x2  }
0x248: {  	v2 =	vadd.f32 v5, v2;
	_ =	sdelay $0x1  }
0x249: {  	v2 =	vadd.f32 v3, v2  }
0x24a: {  	s26 =	sadd.s32 $0x40, s26;
	s24 =	sadd.s32 $0x200, s24;
	s0 =	sand.u32 $0xC0, s23;
	v3 =	vand.u32 $0xFFFF, v4  }
0x24b: {  	s11 =	sand.u32 $0x300, s26;
	s9 =	sand.u32 $0x1C00, s24;
	s1 =	sadd.s32 $0xFFFFFFE0, s26  }
0x24c: {  	s16 =	sshrl.u32 s0, $0x1;
	s12 =	sand.u32 $0x40, s1;
	s1 =	sand.u32 $0x300, s1  }
0x24d: {  	s29 =	sadd.s32 s9, s22;
	s0 =	sshrl.u32 s1, $0x1;
	s1 =	sshrl.u32 s11, $0x1;
	v4 =	vand.u32 $0xFFFF0000, v4  }
0x24e: {  	s9 =	sadd.s32 s12, s29;
	s0 =	sadd.s32 s0, s20;
	s1 =	sadd.s32 s1, s20  }
0x24f: {  	s11 =	sadd.s32 s16, s25;
	s25 =	smov.u32 s1;
	[tilespmem:v3+s13+$0x0] =	vst.idx.msk $0xffff, v4  }
0x250: {  	v3 =	vld [tilespmem:s11+$0x0]  }
0x251: {  	v4 =	vld.idx.msk [tilespmem:v1+s9+$0x0 ss:$0x1], $0xffff;
	_ =	sdelay $0x3  }
0x252: {  	v5 =	vand.u32 $0xFFFF, v3;
	v6 =	vshrl.u32 v3, $0x10;
	_ =	sdelay $0x1  }
0x253: {  	v7 =	vand.u32 $0xFFFF, v4;
	_ =	sdelay $0x1  }
.Ltmp8:
0x254: {  	(pc) =	sbr.rel @p0 .LBB2_18-.Ltmp8, $4  }
0x255: {  	v3 =	vld.idx.msk [tilespmem:v5+s14+$0x0], $0xffff  }
0x256: {  	v5 =	vand.u32 $0xFFFF0000, v4;
	v4 =	vld.idx.msk [tilespmem:v6+s14+$0x0], $0xffff  }
0x257: {  	[tilespmem:v7+s13+$0x0] =	vst.idx.msk $0xffff, v5  }
0x258: {  	v5 =	vld.idx.msk [tilespmem:v1+s9+$0x10 ss:$0x1], $0xffff  }
0x259: {  	_ =	sdelay $0x3  }
0x25a: {  	v6 =	vand.u32 $0xFFFF, v5  }
0x25b: {  	s1 =	sadd.s32 $0x80, s23  }
0x25c: {  	s9 =	sadd.s32 $0xFFFFFFC0, s1  }
0x25d: {  	s9 =	sand.u32 $0x80, s9  }
0x25e: {  	s9 =	sshrl.u32 s9, $0x1;
	v61 =	vand.u32 $0xFFFF0000, v5  }
0x25f: {  	s28 =	sand.u32 $0x60, s26;
	s0 =	sadd.s32 s9, s0;
	[tilespmem:v6+s13+$0x0] =	vst.idx.msk $0xffff, v61  }
0x260: {  	s29 =	sadd.s32 s28, s29;
	v5 =	vld [tilespmem:s0+$0x0]  }
0x261: {  	v6 =	vld.idx.msk [tilespmem:v1+s29+$0x0 ss:$0x1], $0xffff;
	_ =	sdelay $0x3  }
0x262: {  	v7 =	vand.u32 $0xFFFF, v5  }
0x263: {  	v5 =	vshrl.u32 v5, $0x10;
	v8 =	vand.u32 $0xFFFF, v6;
	_ =	sdelay $0x3  }
0x264: {  	v6 =	vand.u32 $0xFFFF0000, v6;
	v7 =	vld.idx.msk [tilespmem:v7+s14+$0x0], $0xffff  }
0x265: {  	v5 =	vld.idx.msk [tilespmem:v5+s14+$0x0], $0xffff;
	[tilespmem:v8+s13+$0x0] =	vst.idx.msk $0xffff, v6  }
0x266: {  	v1 =	vld.idx.msk [tilespmem:v1+s29+$0x10 ss:$0x1], $0xffff;
	_ =	sdelay $0x4  }
0x267: {  	v62 =	vand.u32 $0xFFFF, v1;
	_ =	sdelay $0x2  }
0x268: {  	s30 =	sand.u32 $0xC0, s1  }
0x269: {  	s0 =	sshrl.u32 s30, $0x1;
	v1 =	vand.u32 $0xFFFF0000, v1  }
0x26a: {  	s0 =	sadd.s32 s0, s25;
	[tilespmem:v62+s13+$0x0] =	vst.idx.msk $0xffff, v1  }
0x26b: {  	v1 =	vld [tilespmem:s0+$0x0];
	_ =	sdelay $0x4  }
0x26c: {  	v63 =	vand.u32 $0xFFFF, v1;
	_ =	sdelay $0x1  }
0x26d: {  	v2 =	vadd.f32 v3, v2;
	v1 =	vshrl.u32 v1, $0x10;
	_ =	sdelay $0x1  }
0x26e: {  	v2 =	vadd.f32 v4, v2  }
0x26f: {  	v3 =	vld.idx.msk [tilespmem:v63+s14+$0x0], $0xffff  }
0x270: {  	v2 =	vadd.f32 v7, v2  }
0x271: {  	v1 =	vld.idx.msk [tilespmem:v1+s14+$0x0], $0xffff  }
0x272: {  	s19 =	sadd.s32 $0x1, s19;
	v2 =	vadd.f32 v5, v2  }
0x273: {  	p0 =	sne.s32 s19, $0x7  }
.Ltmp9:
0x274: {  	v2 =	vadd.f32 v3, v2;
	(pc) =	sbr.rel @p0 .LBB2_15-.Ltmp9, $4  }
0x275: {  	_ = 	snop  }
0x276: {  	v1 =	vadd.f32 v1, v2  }
0x277: {  	s31 =	sand.u32 $0x3FFFFFE0, s21  }
0x278: {  	[tilespmem:s31+$0xCA10] =	vst v1  }
0x279: {  	s0 =	simm.s32 $0x0  }
0x27a: {  	s1 =	simm.s32 $0x0;
	s0 =	sand.u32 $0x1C00, s0  }
0x27b: {  	s9 =	sand.u32 $0x40, s1;
	s11 =	sor.u32 $0x8380, s0  }
0x27c: {  	s12 =	sor.u32 s9, s11  }
0x27d: {  	v1 =	vld [tilespmem:s12+$0x0];
	_ =	sdelay $0x4  }
0x27e: {  	v2 =	vand.u32 $0xFFFF, v1;
	_ =	sdelay $0x3  }
0x27f: {  	s0 =	sor.u32 $0x8390, s0;
	v1 =	vand.u32 $0xFFFF0000, v1  }
0x280: {  	s9 =	sor.u32 s9, s0;
	[tilespmem:v2+s14+$0x0] =	vst.idx.msk $0xffff, v1  }
0x281: {  	v1 =	vld [tilespmem:s9+$0x0];
	_ =	sdelay $0x4  }
0x282: {  	v2 =	vand.u32 $0xFFFF, v1;
	_ =	sdelay $0x1  }
0x283: {  	s20 =	simm.s32 $0x0  }
0x284: {  	s1 =	sand.u32 $0x300, s1;
	s9 =	sand.u32 $0x80, s20  }
0x285: {  	s21 =	simm.s32 $0x20;
	s1 =	sor.u32 s9, s1;
	v1 =	vand.u32 $0xFFFF0000, v1  }
0x286: {  	s22 =	sand.u32 $0x60, s21;
	s1 =	sshrl.u32 s1, $0x1;
	[tilespmem:v2+s14+$0x0] =	vst.idx.msk $0xffff, v1  }
0x287: {  	s11 =	sor.u32 s22, s11;
	v1 =	vld [tilespmem:s1+$0xBC00]  }
0x288: {  	v2 =	vld [tilespmem:s11+$0x0];
	_ =	sdelay $0x3  }
0x289: {  	v3 =	vand.u32 $0xFFFF, v1  }
0x28a: {  	v1 =	vshrl.u32 v1, $0x10;
	v4 =	vand.u32 $0xFFFF, v2;
	_ =	sdelay $0x3  }
0x28b: {  	v2 =	vand.u32 $0xFFFF0000, v2;
	v3 =	vld.idx.msk [tilespmem:v3+s13+$0x0], $0xffff  }
0x28c: {  	s0 =	sor.u32 s22, s0;
	v1 =	vld.idx.msk [tilespmem:v1+s13+$0x0], $0xffff;
	[tilespmem:v4+s14+$0x0] =	vst.idx.msk $0xffff, v2  }
0x28d: {  	v2 =	vld [tilespmem:s0+$0x0];
	_ =	sdelay $0x4  }
0x28e: {  	v4 =	vand.u32 $0xFFFF, v2;
	_ =	sdelay $0x1  }
0x28f: {  	s23 =	simm.s32 $0x40  }
0x290: {  	s19 =	simm.s32 $0x200;
	s24 =	sand.u32 $0x300, s21;
	s0 =	sand.u32 $0xC0, s23  }
0x291: {  	s25 =	simm.s32 $0x40;
	s26 =	sand.u32 $0x1C00, s19;
	s0 =	sor.u32 s0, s24;
	v2 =	vand.u32 $0xFFFF0000, v2  }
0x292: {  	s28 =	sand.u32 $0x40, s25;
	s23 =	sor.u32 $0x8380, s26;
	s0 =	sshrl.u32 s0, $0x1;
	[tilespmem:v4+s14+$0x0] =	vst.idx.msk $0xffff, v2  }
0x293: {  	s29 =	sor.u32 s28, s23;
	v2 =	vld [tilespmem:s0+$0xBC00]  }
0x294: {  	v4 =	vld [tilespmem:s29+$0x0];
	_ =	sdelay $0x3  }
0x295: {  	v5 =	vand.u32 $0xFFFF, v2  }
0x296: {  	v2 =	vshrl.u32 v2, $0x10;
	v6 =	vand.u32 $0xFFFF, v4  }
0x297: {  	v7 =	vimm.f32 $0.0e+00  }
0x298: {  	v3 =	vadd.f32 v3, v7;
	_ =	sdelay $0x1  }
0x299: {  	s24 =	sor.u32 $0x8390, s26;
	v7 =	vadd.f32 v1, v3;
	v3 =	vand.u32 $0xFFFF0000, v4;
	v5 =	vld.idx.msk [tilespmem:v5+s13+$0x0], $0xffff  }
0x29a: {  	s9 =	sor.u32 s28, s24;
	v1 =	vld.idx.msk [tilespmem:v2+s13+$0x0], $0xffff;
	[tilespmem:v6+s14+$0x0] =	vst.idx.msk $0xffff, v3  }
0x29b: {  	v3 =	vld [tilespmem:s9+$0x0]  }
0x29c: {  	s30 =	simm.s32 $0x80  }
0x29d: {  	s31 =	sand.u32 $0x80, s30;
	s21 =	simm.s32 $0x60;
	s0 =	sand.u32 $0x300, s25  }
0x29e: {  	s22 =	simm.s32 $0x2;
	s20 =	simm.s32 $0xC0;
	s0 =	sor.u32 s31, s0;
	v2 =	vadd.f32 v5, v7  }
.LBB2_21:
0x29f: {  	s22 =	sadd.s32 $0x2, s22  }
0x2a0: {  	p0 =	slt.u32 s22, $0x1E;
	v4 =	vand.u32 $0xFFFF, v3;
	v1 =	vadd.f32 v1, v2;
	_ =	sdelay $0x3  }
0x2a1: {  	v2 =	vand.u32 $0xFFFF0000, v3  }
0x2a2: {  	s0 =	sshrl.u32 s0, $0x1;
	[tilespmem:v4+s14+$0x0] =	vst.idx.msk $0xffff, v2  }
0x2a3: {  	v2 =	vld [tilespmem:s0+$0xBC00];
	s0 =	sand.u32 $0x60, s21  }
0x2a4: {  	s1 =	sor.u32 s0, s23  }
0x2a5: {  	v3 =	vld [tilespmem:s1+$0x0];
	_ =	sdelay $0x2  }
0x2a6: {  	v4 =	vand.u32 $0xFFFF, v2;
	v2 =	vshrl.u32 v2, $0x10;
	_ =	sdelay $0x1  }
0x2a7: {  	v5 =	vand.u32 $0xFFFF, v3;
	_ =	sdelay $0x2  }
0x2a8: {  	v4 =	vld.idx.msk [tilespmem:v4+s13+$0x0], $0xffff  }
0x2a9: {  	v3 =	vand.u32 $0xFFFF0000, v3;
	v2 =	vld.idx.msk [tilespmem:v2+s13+$0x0], $0xffff  }
0x2aa: {  	s0 =	sor.u32 s0, s24;
	[tilespmem:v5+s14+$0x0] =	vst.idx.msk $0xffff, v3  }
0x2ab: {  	v3 =	vld [tilespmem:s0+$0x0];
	_ =	sdelay $0x2  }
0x2ac: {  	v1 =	vadd.f32 v4, v1;
	_ =	sdelay $0x1  }
0x2ad: {  	v2 =	vadd.f32 v2, v1;
	v1 =	vand.u32 $0xFFFF, v3;
	_ =	sdelay $0x1  }
0x2ae: {  	s19 =	sadd.s32 $0x200, s19  }
0x2af: {  	s1 =	sand.u32 $0xC0, s20;
	s20 =	sadd.s32 $0x80, s20;
	s0 =	sand.u32 $0x300, s21  }
0x2b0: {  	s9 =	sadd.s32 $0xFFFFFFC0, s20;
	s21 =	sadd.s32 $0x40, s21;
	s0 =	sor.u32 s1, s0;
	v3 =	vand.u32 $0xFFFF0000, v3  }
0x2b1: {  	s11 =	sand.u32 $0x1C00, s19;
	s1 =	sadd.s32 $0xFFFFFFE0, s21;
	s0 =	sshrl.u32 s0, $0x1;
	[tilespmem:v1+s14+$0x0] =	vst.idx.msk $0xffff, v3  }
0x2b2: {  	s23 =	sor.u32 $0x8380, s11;
	s12 =	sand.u32 $0x40, s1;
	s1 =	sand.u32 $0x300, s1;
	v1 =	vld [tilespmem:s0+$0xBC00]  }
0x2b3: {  	s9 =	sand.u32 $0x80, s9;
	s0 =	sor.u32 s12, s23  }
0x2b4: {  	v3 =	vld [tilespmem:s0+$0x0];
	s0 =	sor.u32 s9, s1;
	_ =	sdelay $0x2  }
0x2b5: {  	v4 =	vand.u32 $0xFFFF, v1;
	v1 =	vshrl.u32 v1, $0x10;
	_ =	sdelay $0x1  }
0x2b6: {  	v5 =	vand.u32 $0xFFFF, v3;
	_ =	sdelay $0x2  }
0x2b7: {  	v4 =	vld.idx.msk [tilespmem:v4+s13+$0x0], $0xffff  }
0x2b8: {  	s24 =	sor.u32 $0x8390, s11;
	v3 =	vand.u32 $0xFFFF0000, v3;
	v1 =	vld.idx.msk [tilespmem:v1+s13+$0x0], $0xffff  }
.Ltmp10:
0x2b9: {  	s1 =	sor.u32 s12, s24;
	[tilespmem:v5+s14+$0x0] =	vst.idx.msk $0xffff, v3;
	(pc) =	sbr.rel @p0 .LBB2_21-.Ltmp10, $2  }
0x2ba: {  	v3 =	vld [tilespmem:s1+$0x0];
	_ =	sdelay $0x2  }
0x2bb: {  	v2 =	vadd.f32 v4, v2  }
0x2bc: {  	_ = 	snop  }
0x2bd: {  	v4 =	vand.u32 $0xFFFF, v3;
	_ =	sdelay $0x3  }
0x2be: {  	v3 =	vand.u32 $0xFFFF0000, v3  }
0x2bf: {  	s0 =	sshrl.u32 s0, $0x1;
	s26 =	sand.u32 $0x60, s21;
	[tilespmem:v4+s14+$0x0] =	vst.idx.msk $0xffff, v3  }
0x2c0: {  	s1 =	sor.u32 s26, s23;
	v3 =	vld [tilespmem:s0+$0xBC00]  }
0x2c1: {  	v4 =	vld [tilespmem:s1+$0x0];
	_ =	sdelay $0x3  }
0x2c2: {  	v5 =	vand.u32 $0xFFFF, v3  }
0x2c3: {  	v3 =	vshrl.u32 v3, $0x10;
	v6 =	vand.u32 $0xFFFF, v4;
	_ =	sdelay $0x3  }
0x2c4: {  	v4 =	vand.u32 $0xFFFF0000, v4;
	v5 =	vld.idx.msk [tilespmem:v5+s13+$0x0], $0xffff  }
0x2c5: {  	s0 =	sor.u32 s26, s24;
	v3 =	vld.idx.msk [tilespmem:v3+s13+$0x0], $0xffff;
	[tilespmem:v6+s14+$0x0] =	vst.idx.msk $0xffff, v4  }
0x2c6: {  	v4 =	vld [tilespmem:s0+$0x0];
	_ =	sdelay $0x4  }
0x2c7: {  	v6 =	vand.u32 $0xFFFF, v4;
	_ =	sdelay $0x2  }
0x2c8: {  	s28 =	sand.u32 $0x300, s21;
	s29 =	sand.u32 $0xC0, s20  }
0x2c9: {  	s0 =	sor.u32 s29, s28;
	v4 =	vand.u32 $0xFFFF0000, v4  }
0x2ca: {  	s0 =	sshrl.u32 s0, $0x1;
	[tilespmem:v6+s14+$0x0] =	vst.idx.msk $0xffff, v4  }
0x2cb: {  	v4 =	vld [tilespmem:s0+$0xBC00];
	_ =	sdelay $0x4  }
0x2cc: {  	v6 =	vand.u32 $0xFFFF, v4;
	_ =	sdelay $0x1  }
0x2cd: {  	v4 =	vshrl.u32 v4, $0x10;
	_ =	sdelay $0x1  }
0x2ce: {  	v1 =	vadd.f32 v1, v2  }
0x2cf: {  	v2 =	vld.idx.msk [tilespmem:v6+s13+$0x0], $0xffff  }
0x2d0: {  	v1 =	vadd.f32 v5, v1  }
0x2d1: {  	v4 =	vld.idx.msk [tilespmem:v4+s13+$0x0], $0xffff  }
0x2d2: {  	v1 =	vadd.f32 v3, v1;
	_ =	sdelay $0x1  }
0x2d3: {  	v1 =	vadd.f32 v2, v1;
	_ =	sdelay $0x1  }
0x2d4: {  	v1 =	vadd.f32 v4, v1  }
0x2d5: {  	s30 =	simm.s32 $0x0  }
0x2d6: {  	s0 =	sand.u32 $0x180, s30;
	[tilespmem:$0xCAE0] =	vst v1  }
0x2d7: {  	v1 =	vld [tilespmem:s0+$0xBE00];
	_ =	sdelay $0x3  }
0x2d8: {  	v2 =	vld [tilespmem:s0+$0xBE20]  }
0x2d9: {  	v3 =	vand.u32 $0xFFFF, v1;
	_ =	sdelay $0x1  }
0x2da: {  	v1 =	vshrl.u32 v1, $0x10  }
0x2db: {  	v4 =	vld [tilespmem:s0+$0xBE40]  }
0x2dc: {  	v5 =	vand.u32 $0xFFFF, v2  }
0x2dd: {  	v3 =	vld.idx.msk [tilespmem:v3+s14+$0x0], $0xffff  }
0x2de: {  	s31 =	simm.s32 $0x40;
	v6 =	vld [tilespmem:s0+$0xBE60];
	v2 =	vshrl.u32 v2, $0x10  }
0x2df: {  	s0 =	sand.u32 $0x180, s31;
	v1 =	vld.idx.msk [tilespmem:v1+s14+$0x0], $0xffff  }
0x2e0: {  	v9 =	vld [tilespmem:s0+$0xBE00];
	v7 =	vand.u32 $0xFFFF, v4  }
0x2e1: {  	v8 =	vimm.f32 $0.0e+00;
	v5 =	vld.idx.msk [tilespmem:v5+s14+$0x0], $0xffff  }
0x2e2: {  	v4 =	vshrl.u32 v4, $0x10;
	v3 =	vadd.f32 v3, v8  }
0x2e3: {  	v2 =	vld.idx.msk [tilespmem:v2+s14+$0x0], $0xffff;
	v8 =	vand.u32 $0xFFFF, v6  }
0x2e4: {  	v6 =	vshrl.u32 v6, $0x10;
	v1 =	vadd.f32 v1, v3  }
0x2e5: {  	v3 =	vld.idx.msk [tilespmem:v7+s14+$0x0], $0xffff  }
0x2e6: {  	v10 =	vld [tilespmem:s0+$0xBE20];
	v7 =	vand.u32 $0xFFFF, v9;
	v1 =	vadd.f32 v5, v1  }
0x2e7: {  	v5 =	vld.idx.msk [tilespmem:v4+s14+$0x0], $0xffff  }
0x2e8: {  	v8 =	vld.idx.msk [tilespmem:v8+s14+$0x0], $0xffff;
	v1 =	vadd.f32 v2, v1  }
0x2e9: {  	v9 =	vshrl.u32 v9, $0x10;
	v4 =	vld.idx.msk [tilespmem:v6+s14+$0x0], $0xffff  }
0x2ea: {  	v2 =	vld [tilespmem:s0+$0xBE40];
	v1 =	vadd.f32 v3, v1  }
0x2eb: {  	v3 =	vld.idx.msk [tilespmem:v7+s14+$0x0], $0xffff;
	v7 =	vand.u32 $0xFFFF, v10  }
0x2ec: {  	v11 =	vadd.f32 v5, v1  }
0x2ed: {  	v6 =	vshrl.u32 v10, $0x10;
	v1 =	vld [tilespmem:s0+$0xBE60]  }
0x2ee: {  	s19 =	simm.s32 $0x4;
	s20 =	simm.s32 $0x100;
	s0 =	simm.s32 $0x0;
	v5 =	vld.idx.msk [tilespmem:v9+s14+$0x0], $0xffff;
	v8 =	vadd.f32 v8, v11  }
.LBB2_23:
0x2ef: {  	s1 =	sshrl.u32 s20, $0x1;
	v9 =	vand.u32 $0xFFFF, v2  }
0x2f0: {  	s19 =	sadd.s32 $0x4, s19;
	s0 =	sadd.s32 $0x1, s0;
	s1 =	sand.u32 $0x180, s1;
	v7 =	vld.idx.msk [tilespmem:v7+s14+$0x0], $0xffff;
	v4 =	vadd.f32 v4, v8  }
0x2f1: {  	v2 =	vshrl.u32 v2, $0x10;
	p0 =	slt.u32 s19, $0x1C;
	v8 =	vld [tilespmem:s1+$0xBE00]  }
0x2f2: {  	v3 =	vadd.f32 v3, v4;
	v4 =	vld.idx.msk [tilespmem:v6+s14+$0x0], $0xffff  }
0x2f3: {  	v6 =	vand.u32 $0xFFFF, v1  }
0x2f4: {  	v3 =	vadd.f32 v5, v3;
	v5 =	vld.idx.msk [tilespmem:v9+s14+$0x0], $0xffff  }
0x2f5: {  	v1 =	vshrl.u32 v1, $0x10;
	v9 =	vld [tilespmem:s1+$0xBE20]  }
0x2f6: {  	v3 =	vadd.f32 v7, v3;
	v10 =	vld.idx.msk [tilespmem:v2+s14+$0x0], $0xffff  }
0x2f7: {  	v11 =	vand.u32 $0xFFFF, v8  }
0x2f8: {  	v3 =	vadd.f32 v4, v3;
	v12 =	vld.idx.msk [tilespmem:v6+s14+$0x0], $0xffff  }
0x2f9: {  	v8 =	vshrl.u32 v8, $0x10;
	v2 =	vld [tilespmem:s1+$0xBE40]  }
.Ltmp11:
0x2fa: {  	v5 =	vadd.f32 v5, v3;
	v4 =	vld.idx.msk [tilespmem:v1+s14+$0x0], $0xffff;
	(pc) =	sbr.rel @p0 .LBB2_23-.Ltmp11, $4  }
0x2fb: {  	v7 =	vand.u32 $0xFFFF, v9  }
0x2fc: {  	v3 =	vld.idx.msk [tilespmem:v11+s14+$0x0], $0xffff;
	v10 =	vadd.f32 v10, v5  }
0x2fd: {  	v6 =	vshrl.u32 v9, $0x10;
	v1 =	vld [tilespmem:s1+$0xBE60]  }
0x2fe: {  	s20 =	sadd.s32 $0x80, s20;
	v5 =	vld.idx.msk [tilespmem:v8+s14+$0x0], $0xffff;
	v8 =	vadd.f32 v12, v10  }
0x2ff: {  	_ =	sdelay $0x2  }
0x300: {  	v9 =	vand.u32 $0xFFFF, v2;
	v4 =	vadd.f32 v4, v8  }
0x301: {  	v7 =	vld.idx.msk [tilespmem:v7+s14+$0x0], $0xffff  }
0x302: {  	v2 =	vshrl.u32 v2, $0x10;
	v3 =	vadd.f32 v3, v4  }
0x303: {  	v60 =	vld.idx.msk [tilespmem:v6+s14+$0x0], $0xffff  }
0x304: {  	v61 =	vand.u32 $0xFFFF, v1;
	v3 =	vadd.f32 v5, v3  }
0x305: {  	v62 =	vld.idx.msk [tilespmem:v9+s14+$0x0], $0xffff  }
0x306: {  	v1 =	vshrl.u32 v1, $0x10;
	v3 =	vadd.f32 v7, v3  }
0x307: {  	v2 =	vld.idx.msk [tilespmem:v2+s14+$0x0], $0xffff  }
0x308: {  	v3 =	vadd.f32 v60, v3  }
0x309: {  	v63 =	vld.idx.msk [tilespmem:v61+s14+$0x0], $0xffff  }
0x30a: {  	v3 =	vadd.f32 v62, v3  }
0x30b: {  	v1 =	vld.idx.msk [tilespmem:v1+s14+$0x0], $0xffff  }
0x30c: {  	v2 =	vadd.f32 v2, v3;
	_ =	sdelay $0x1  }
0x30d: {  	v2 =	vadd.f32 v63, v2;
	_ =	sdelay $0x1  }
0x30e: {  	s18 =	sadd.s32 $0x1, s18;
	v1 =	vadd.f32 v1, v2  }
0x30f: {  	p0 =	sne.s32 s18, s8  }
.Ltmp12:
0x310: {  	s0 =	simm.s32 $0xC900;
	[tilespmem:$0xCAF0] =	vst v1;
	(pc) =	sbr.rel @p0 .LBB2_1-.Ltmp12, $4  }
0x311: {  	[hbm4b:s7+s2] =	stream.linear.scatter [tilespmem:s0], [sflag:$0x3], $0x200, $0x38;
	[tilespmem:$0xCB00] =	vst v63  }
0x312: {  	_ =	swait.ge [sflag:s17], $0x200  }
0x313: {  	[sflag:s17] =	ssyncset.done $0x0  }
0x314: {  	[sflag:s17] =	ssyncadd.s32 $0xFFFFFE00  }
0x315: {  	_ =	sfence.sel $0x180000  }
0x316: {  	[bflag:$0x0] =	sbarrier.arrive $0xFFFF  }
0x317: {  	_ =	strace $0x90000047  }
0x318: {  	s0 =	stileid.u32;
	[bflag:$0x2] =	sbarrier.arrive $0xFFFF  }
0x319: {  	p0 =	sne.s32 s0, $0x0;
	s0 =	rddreg [dreg:$0x1]  }
0x31a: {  	s0 =	sadd.s32 @!p0 $0x100000, s0  }
0x31b: {  	[sflag:s0] =	ssyncadd.tile.s32 @!p0 $0x1;
	_ =	shalt  }
.Lfunc_end2:
_tile_overlayer_lowered:
.L_overlay_start_2:
0x31c: {  	(tag) =	ssettag $0x2  }
0x31d: {  	s0 =	rddreg [dreg:$0x0];
	s2 =	stileid.u32  }
0x31e: {  	s1 =	rddreg [dreg:$0x1];
	p0 =	sne.s32 s2, $0x0  }
0x31f: {  	s3 =	rddreg [dreg:$0x2];
	[bflag:$0x3] =	sbarrier.arrive $0xFFFF;
	s2 =	simm.s32 @!p0 $0x1C03  }
0x320: {  	[timem:s3], [sflag:s2] =	dma.local @!p0 [hbm:s0], s1  }
0x321: {  	s0 =	simm.s32 @!p0 $0x3  }
0x322: {  	_ =	swait.ge @!p0 [sflag:s0], s1  }
0x323: {  	s1 =	ssub.s32 @!p0 $0x0, s1;
	[sflag:s0] =	ssyncset.done @!p0 $0x0  }
0x324: {  	[sflag:s0] =	ssyncadd.s32 @!p0 s1  }
0x325: {  	[bflag:$0x3] =	sbarrier.arrive $0xFFFF  }
0x326: {  	_ =	shalt  }

</sc_bundles>
